<compile_context>
chip_gen: v7x
topology: tpu7x:2x2x1
jax: 0.10.2.dev20260603
libtpu: 0.0.44.dev20260713+nightly
codegen_flags: <defaults>
</compile_context>

<pallas_src>
import functools

import jax
import jax.numpy as jnp
from jax import lax
from jax.experimental import pallas as pl
from jax.experimental.pallas import tpu as pltpu
from jax.experimental.pallas import tpu_sc as plsc

NC = 2
NS = 16
NW = NC * NS
GRP = 8
D = 32
CH = 128


@functools.lru_cache(maxsize=None)
def _make_gather(B):
    b_per_w = B // NW
    n_chunks = b_per_w // CH
    mesh = plsc.VectorSubcoreMesh(
        core_axis_name="c", subcore_axis_name="s", num_cores=NC, num_subcores=NS
    )

    @functools.partial(
        pl.kernel,
        out_type=[jax.ShapeDtypeStruct((B, D), jnp.float32) for _ in range(4)],
        mesh=mesh,
        scratch_types=[
            pltpu.VMEM((b_per_w + 16,), jnp.int32),
            pltpu.VMEM((b_per_w + 16,), jnp.int32),
            pltpu.VMEM((CH, D), jnp.float32),
            pltpu.VMEM((CH, D), jnp.float32),
            pltpu.VMEM((CH, D), jnp.float32),
            pltpu.VMEM((CH, D), jnp.float32),
            pltpu.SemaphoreType.DMA,
            pltpu.SemaphoreType.DMA,
            pltpu.SemaphoreType.DMA,
            pltpu.SemaphoreType.DMA,
        ],
    )
    def gather_kernel(uids_hbm, iids_hbm, t0_hbm, t1_hbm, t2_hbm, t3_hbm,
                      out0, out1, out2, out3,
                      uidx_v, iidx_v, b0, b1, b2, b3, s0, s1, s2, s3):
        wid = lax.axis_index("s") * NC + lax.axis_index("c")
        base = wid * b_per_w
        pltpu.sync_copy(uids_hbm.at[pl.ds(base, b_per_w)],
                        uidx_v.at[pl.ds(0, b_per_w)])
        pltpu.sync_copy(iids_hbm.at[pl.ds(base, b_per_w)],
                        iidx_v.at[pl.ds(0, b_per_w)])

        def chunk(k2, _):
            def grp_u(k, _):
                v = uidx_v[pl.ds(k2 * CH + k * GRP, 16)]
                for l in range(GRP):
                    dst = pl.ds(k * GRP + l, 1)
                    pltpu.async_copy(t0_hbm.at[pl.ds(v[l], 1)],
                                     b0.at[dst], s0)
                    pltpu.async_copy(t2_hbm.at[pl.ds(v[l], 1)],
                                     b2.at[dst], s2)
                return 0

            def grp_i(k, _):
                v = iidx_v[pl.ds(k2 * CH + k * GRP, 16)]
                for l in range(GRP):
                    dst = pl.ds(k * GRP + l, 1)
                    pltpu.async_copy(t1_hbm.at[pl.ds(v[l], 1)],
                                     b1.at[dst], s1)
                    pltpu.async_copy(t3_hbm.at[pl.ds(v[l], 1)],
                                     b3.at[dst], s3)
                return 0

            lax.fori_loop(0, CH // GRP, grp_u, 0)
            lax.fori_loop(0, CH // GRP, grp_i, 0)
            pltpu.make_async_copy(out0.at[pl.ds(0, CH)], b0, s0).wait()
            pltpu.make_async_copy(out1.at[pl.ds(0, CH)], b1, s1).wait()
            pltpu.make_async_copy(out2.at[pl.ds(0, CH)], b2, s2).wait()
            pltpu.make_async_copy(out3.at[pl.ds(0, CH)], b3, s3).wait()
            osl = pl.ds(base + k2 * CH, CH)
            pltpu.sync_copy(b0, out0.at[osl])
            pltpu.sync_copy(b1, out1.at[osl])
            pltpu.sync_copy(b2, out2.at[osl])
            pltpu.sync_copy(b3, out3.at[osl])
            return 0

        lax.fori_loop(0, n_chunks, chunk, 0)

    return gather_kernel


def _mlp_body(umf_ref, imf_ref, umlp_ref, imlp_ref,
              w1_ref, b1_ref, w2_ref, b2_ref, wp_ref, bp_ref, out_ref):
    mf = umf_ref[...] * imf_ref[...]
    w1 = w1_ref[...]
    dn = (((1,), (1,)), ((), ()))
    h1 = (lax.dot_general(umlp_ref[...], w1[:, :32], dn,
                          preferred_element_type=jnp.float32)
          + lax.dot_general(imlp_ref[...], w1[:, 32:], dn,
                            preferred_element_type=jnp.float32)
          + b1_ref[...])
    h1 = jnp.maximum(h1, 0.0)
    h2 = lax.dot_general(h1, w2_ref[...], dn,
                         preferred_element_type=jnp.float32) + b2_ref[...]
    h2 = jnp.maximum(h2, 0.0)
    wp = wp_ref[...]
    logit = (lax.dot_general(mf, wp[:, :32], dn,
                             preferred_element_type=jnp.float32)
             + lax.dot_general(h2, wp[:, 32:], dn,
                               preferred_element_type=jnp.float32)
             + bp_ref[...])
    out_ref[...] = jax.nn.sigmoid(logit) * 5.0


@functools.lru_cache(maxsize=None)
def _make_mlp(B, blk, interpret=False):
    n_blocks = B // blk
    return pl.pallas_call(
        _mlp_body,
        grid=(n_blocks,),
        in_specs=[
            pl.BlockSpec((blk, 32), lambda i: (i, 0)),
            pl.BlockSpec((blk, 32), lambda i: (i, 0)),
            pl.BlockSpec((blk, 32), lambda i: (i, 0)),
            pl.BlockSpec((blk, 32), lambda i: (i, 0)),
            pl.BlockSpec((64, 64), lambda i: (0, 0)),
            pl.BlockSpec((1, 64), lambda i: (0, 0)),
            pl.BlockSpec((32, 64), lambda i: (0, 0)),
            pl.BlockSpec((1, 32), lambda i: (0, 0)),
            pl.BlockSpec((1, 64), lambda i: (0, 0)),
            pl.BlockSpec((1, 1), lambda i: (0, 0)),
        ],
        out_specs=pl.BlockSpec((blk, 1), lambda i: (i, 0)),
        out_shape=jax.ShapeDtypeStruct((B, 1), jnp.float32),
        interpret=interpret,
    )


def kernel(user_ids, item_ids, user_mf_emb, item_mf_emb, user_mlp_emb,
           item_mlp_emb, W1, b1, W2, b2, Wp, bp):
    B = user_ids.shape[0]
    gather = _make_gather(B)
    umf, imf, umlp, imlp = gather(user_ids, item_ids, user_mf_emb,
                                  item_mf_emb, user_mlp_emb, item_mlp_emb)
    mlp = _make_mlp(B, 2048)
    return mlp(umf, imf, umlp, imlp,
               W1, b1.reshape(1, -1), W2, b2.reshape(1, -1),
               Wp, bp.reshape(1, 1))

# --- scband reference (transcript-rebuilt; emitter-appended) ---
"""Pipeline reference for scband-neural-collaborative-filtering-82162724372974 (READ-ONLY COPY).

The authoritative reference and input builder live on the scoring server;
editing this copy changes nothing except your own understanding.
"""

import jax, jax.numpy as jnp
import numpy as np

NUM_USERS = 1000000
NUM_ITEMS = 1000000
MF_DIM = 32
MLP_LAYERS = [64, 64, 32]
B = 16384


def setup_inputs(seed: int = 0) -> dict:
    key = jax.random.key(seed)
    ks = jax.random.split(key, 14)
    mlp_half = MLP_LAYERS[0] // 2
    user_ids = jax.random.randint(ks[0], (B,), 0, NUM_USERS, dtype=jnp.int32)
    item_ids = jax.random.randint(ks[1], (B,), 0, NUM_ITEMS, dtype=jnp.int32)
    user_mf_emb = 0.1 * jax.random.normal(ks[2], (NUM_USERS, MF_DIM), dtype=jnp.float32)
    item_mf_emb = 0.1 * jax.random.normal(ks[3], (NUM_ITEMS, MF_DIM), dtype=jnp.float32)
    user_mlp_emb = 0.1 * jax.random.normal(ks[4], (NUM_USERS, mlp_half), dtype=jnp.float32)
    item_mlp_emb = 0.1 * jax.random.normal(ks[5], (NUM_ITEMS, mlp_half), dtype=jnp.float32)
    # MLP: 64 -> 64 -> 32 (torch Linear stores [out, in])
    def kaiming(k, out_dim, in_dim):
        bound = np.sqrt(6.0 / in_dim)
        return jax.random.uniform(k, (out_dim, in_dim), dtype=jnp.float32, minval=-bound, maxval=bound)
    W1 = kaiming(ks[6], MLP_LAYERS[1], MLP_LAYERS[0])
    b1 = jnp.zeros((MLP_LAYERS[1],), dtype=jnp.float32)
    W2 = kaiming(ks[7], MLP_LAYERS[2], MLP_LAYERS[1])
    b2 = jnp.zeros((MLP_LAYERS[2],), dtype=jnp.float32)
    Wp = kaiming(ks[8], 1, MF_DIM + MLP_LAYERS[-1])
    bp = jnp.zeros((1,), dtype=jnp.float32)
    return {
        "user_ids": user_ids,
        "item_ids": item_ids,
        "user_mf_emb": user_mf_emb,
        "item_mf_emb": item_mf_emb,
        "user_mlp_emb": user_mlp_emb,
        "item_mlp_emb": item_mlp_emb,
        "W1": W1, "b1": b1,
        "W2": W2, "b2": b2,
        "Wp": Wp, "bp": bp,
    }


def reference(user_ids, item_ids, user_mf_emb, item_mf_emb, user_mlp_emb, item_mlp_emb, W1, b1, W2, b2, Wp, bp):
    # GMF branch: elementwise product of user/item MF embeddings
    user_mf_vec = jnp.take(user_mf_emb, user_ids, axis=0)
    item_mf_vec = jnp.take(item_mf_emb, item_ids, axis=0)
    mf_output = user_mf_vec * item_mf_vec
    # MLP branch (dropout is identity at inference)
    user_mlp_vec = jnp.take(user_mlp_emb, user_ids, axis=0)
    item_mlp_vec = jnp.take(item_mlp_emb, item_ids, axis=0)
    x = jnp.concatenate([user_mlp_vec, item_mlp_vec], axis=-1)
    x = jnp.maximum(x @ W1.T + b1, 0.0)
    x = jnp.maximum(x @ W2.T + b2, 0.0)
    combined = jnp.concatenate([mf_output, x], axis=-1)
    prediction = combined @ Wp.T + bp
    return jax.nn.sigmoid(prediction) * 5.0

if __name__ == "__main__":
    import jax
    _d = setup_inputs()
    print(jax.jit(kernel)(*tuple(_d.values())))

</pallas_src>

<mosaic_0001>
#map = affine_map<(d0, d1) -> (0)>
#map1 = affine_map<(d0, d1) -> (0, 0)>
module attributes {stable_mosaic.version = 14 : i64} {
  func.func @gather_kernel(%arg0: i32, %arg1: i32, %arg2: memref<16384xi32, #tpu.memory_space<hbm>>, %arg3: memref<16384xi32, #tpu.memory_space<hbm>>, %arg4: memref<1000000x32xf32, #tpu.memory_space<hbm>>, %arg5: memref<1000000x32xf32, #tpu.memory_space<hbm>>, %arg6: memref<1000000x32xf32, #tpu.memory_space<hbm>>, %arg7: memref<1000000x32xf32, #tpu.memory_space<hbm>>, %arg8: memref<16384x32xf32, #tpu.memory_space<hbm>>, %arg9: memref<16384x32xf32, #tpu.memory_space<hbm>>, %arg10: memref<16384x32xf32, #tpu.memory_space<hbm>>, %arg11: memref<16384x32xf32, #tpu.memory_space<hbm>>, %arg12: memref<528xi32, #tpu.memory_space<vmem>>, %arg13: memref<528xi32, #tpu.memory_space<vmem>>, %arg14: memref<128x32xf32, #tpu.memory_space<vmem>>, %arg15: memref<128x32xf32, #tpu.memory_space<vmem>>, %arg16: memref<128x32xf32, #tpu.memory_space<vmem>>, %arg17: memref<128x32xf32, #tpu.memory_space<vmem>>, %arg18: memref<!tpu.dma_semaphore, #tpu.memory_space<semaphore_mem>>, %arg19: memref<!tpu.dma_semaphore, #tpu.memory_space<semaphore_mem>>, %arg20: memref<!tpu.dma_semaphore, #tpu.memory_space<semaphore_mem>>, %arg21: memref<!tpu.dma_semaphore, #tpu.memory_space<semaphore_mem>>) attributes {dimension_semantics = [#tpu.dimension_semantics<core_parallel>, #tpu.dimension_semantics<subcore_parallel>], iteration_bounds = array<i64: 2, 16>, scalar_prefetch = 0 : i64, scratch_operands = 10 : i64, tpu.core_type = #tpu.core_type<sc_vector_subcore>, window_params = [{transform_indices = #map}, {transform_indices = #map}, {transform_indices = #map1}, {transform_indices = #map1}, {transform_indices = #map1}, {transform_indices = #map1}, {transform_indices = #map1}, {transform_indices = #map1}, {transform_indices = #map1}, {transform_indices = #map1}]} {
    %mul3A = arith.constant 2 : i32
    %mul3A_0 = arith.muli %arg1, %mul3A : i32
    %add3A = arith.addi %mul3A_0, %arg0 : i32
    %mul3A_1 = arith.constant 512 : i32
    %mul3A_2 = arith.muli %add3A, %mul3A_1 : i32
    "tpu.region"() ({
      %run_scoped3A = tpu.sem_alloc : memref<!tpu.dma_semaphore, #tpu.memory_space<semaphore_mem>>
      %dma_start3A = arith.constant 0 : i32
      %dma_start3A_9 = tpu.memref_slice %arg12[%dma_start3A] : memref<528xi32, #tpu.memory_space<vmem>> -> memref<512xi32, #tpu.memory_space<vmem>>
      %dma_start3A_10 = tpu.memref_slice %arg2[%mul3A_2] : memref<16384xi32, #tpu.memory_space<hbm>> -> memref<512xi32, #tpu.memory_space<hbm>>
      %dma_start3A_11 = arith.constant 0 : i32
      %dma_start3A_12 = tpu.memref_slice %arg12[%dma_start3A_11] : memref<528xi32, #tpu.memory_space<vmem>> -> memref<512xi32, #tpu.memory_space<vmem>>
      %dma_start3A_13 = tpu.memref_slice %arg2[%mul3A_2] : memref<16384xi32, #tpu.memory_space<hbm>> -> memref<512xi32, #tpu.memory_space<hbm>>
      tpu.enqueue_dma source(%dma_start3A_13 : memref<512xi32, #tpu.memory_space<hbm>>) target(%dma_start3A_12 : memref<512xi32, #tpu.memory_space<vmem>>) target_semaphore(%run_scoped3A : memref<!tpu.dma_semaphore, #tpu.memory_space<semaphore_mem>>)
      %dma_wait3A = arith.constant 0 : i32
      %dma_wait3A_14 = tpu.memref_slice %arg12[%dma_wait3A] : memref<528xi32, #tpu.memory_space<vmem>> -> memref<512xi32, #tpu.memory_space<vmem>>
      %dma_wait3A_15 = tpu.memref_slice %arg2[%mul3A_2] : memref<16384xi32, #tpu.memory_space<hbm>> -> memref<512xi32, #tpu.memory_space<hbm>>
      %dma_wait3A_16 = arith.constant 0 : i32
      %dma_wait3A_17 = tpu.memref_slice %arg12[%dma_wait3A_16] : memref<528xi32, #tpu.memory_space<vmem>> -> memref<512xi32, #tpu.memory_space<vmem>>
      %dma_wait3A_18 = tpu.memref_slice %arg2[%mul3A_2] : memref<16384xi32, #tpu.memory_space<hbm>> -> memref<512xi32, #tpu.memory_space<hbm>>
      tpu.wait_dma2 semaphore(%run_scoped3A : memref<!tpu.dma_semaphore, #tpu.memory_space<semaphore_mem>>) src(%dma_wait3A_18 : memref<512xi32, #tpu.memory_space<hbm>>) dst(%dma_wait3A_17 : memref<512xi32, #tpu.memory_space<vmem>>)
      tpu.yield
    }) : () -> ()
    "tpu.region"() ({
      %run_scoped3A = tpu.sem_alloc : memref<!tpu.dma_semaphore, #tpu.memory_space<semaphore_mem>>
      %dma_start3A = arith.constant 0 : i32
      %dma_start3A_9 = tpu.memref_slice %arg13[%dma_start3A] : memref<528xi32, #tpu.memory_space<vmem>> -> memref<512xi32, #tpu.memory_space<vmem>>
      %dma_start3A_10 = tpu.memref_slice %arg3[%mul3A_2] : memref<16384xi32, #tpu.memory_space<hbm>> -> memref<512xi32, #tpu.memory_space<hbm>>
      %dma_start3A_11 = arith.constant 0 : i32
      %dma_start3A_12 = tpu.memref_slice %arg13[%dma_start3A_11] : memref<528xi32, #tpu.memory_space<vmem>> -> memref<512xi32, #tpu.memory_space<vmem>>
      %dma_start3A_13 = tpu.memref_slice %arg3[%mul3A_2] : memref<16384xi32, #tpu.memory_space<hbm>> -> memref<512xi32, #tpu.memory_space<hbm>>
      tpu.enqueue_dma source(%dma_start3A_13 : memref<512xi32, #tpu.memory_space<hbm>>) target(%dma_start3A_12 : memref<512xi32, #tpu.memory_space<vmem>>) target_semaphore(%run_scoped3A : memref<!tpu.dma_semaphore, #tpu.memory_space<semaphore_mem>>)
      %dma_wait3A = arith.constant 0 : i32
      %dma_wait3A_14 = tpu.memref_slice %arg13[%dma_wait3A] : memref<528xi32, #tpu.memory_space<vmem>> -> memref<512xi32, #tpu.memory_space<vmem>>
      %dma_wait3A_15 = tpu.memref_slice %arg3[%mul3A_2] : memref<16384xi32, #tpu.memory_space<hbm>> -> memref<512xi32, #tpu.memory_space<hbm>>
      %dma_wait3A_16 = arith.constant 0 : i32
      %dma_wait3A_17 = tpu.memref_slice %arg13[%dma_wait3A_16] : memref<528xi32, #tpu.memory_space<vmem>> -> memref<512xi32, #tpu.memory_space<vmem>>
      %dma_wait3A_18 = tpu.memref_slice %arg3[%mul3A_2] : memref<16384xi32, #tpu.memory_space<hbm>> -> memref<512xi32, #tpu.memory_space<hbm>>
      tpu.wait_dma2 semaphore(%run_scoped3A : memref<!tpu.dma_semaphore, #tpu.memory_space<semaphore_mem>>) src(%dma_wait3A_18 : memref<512xi32, #tpu.memory_space<hbm>>) dst(%dma_wait3A_17 : memref<512xi32, #tpu.memory_space<vmem>>)
      tpu.yield
    }) : () -> ()
    %scan3A = arith.constant 0 : i32
    %scan3A_3 = arith.constant 0 : i32
    %scan3A_4 = arith.constant 4 : i32
    %scan3A_5 = arith.addi %scan3A_3, %scan3A_4 : i32
    %scan3A_6 = arith.constant 1 : i32
    %scan3A_7 = scf.for %scan3A_9 = %scan3A_3 to %scan3A_5 step %scan3A_6 iter_args(%scan3A_10 = %scan3A) -> (i32)  : i32 {
      %scan3A_11 = arith.constant 0 : i32
      %scan3A_12 = arith.constant 0 : i32
      %scan3A_13 = arith.constant 16 : i32
      %scan3A_14 = arith.addi %scan3A_12, %scan3A_13 : i32
      %scan3A_15 = arith.constant 1 : i32
      %scan3A_16 = scf.for %scan3A_52 = %scan3A_12 to %scan3A_14 step %scan3A_15 iter_args(%scan3A_53 = %scan3A_11) -> (i32)  : i32 {
        %mul3A_54 = arith.constant 128 : i32
        %mul3A_55 = arith.muli %scan3A_9, %mul3A_54 : i32
        %mul3A_56 = arith.constant 8 : i32
        %mul3A_57 = arith.muli %scan3A_52, %mul3A_56 : i32
        %add3A_58 = arith.addi %mul3A_55, %mul3A_57 : i32
        %get3A = arith.index_cast %add3A_58 : i32 to index
        %get3A_59 = tpu.vector_load %arg12[%get3A] {strides = array<i32>} : memref<528xi32, #tpu.memory_space<vmem>>, vector<16xi32>,
        %get3A_60 = vector.shape_cast %get3A_59 : vector<16xi32> to vector<16xi32>
        %mul3A_61 = arith.constant 8 : i32
        %mul3A_62 = arith.muli %scan3A_52, %mul3A_61 : i32
        %add3A_63 = arith.constant 0 : i32
        %add3A_64 = arith.addi %mul3A_62, %add3A_63 : i32
        %slice3A = vector.extract_strided_slice %get3A_60 {offsets = [0], sizes = [1], strides = [1]} : vector<16xi32> to vector<1xi32>
        %squeeze3A = vector.extract %slice3A[0] : i32 from vector<1xi32>
        %dma_start3A = arith.constant 0 : i32
        %dma_start3A_65 = tpu.memref_slice %arg14[%add3A_64, %dma_start3A] : memref<128x32xf32, #tpu.memory_space<vmem>> -> memref<1x32xf32, #tpu.memory_space<vmem>>
        %dma_start3A_66 = arith.constant 0 : i32
        %dma_start3A_67 = tpu.memref_slice %arg4[%squeeze3A, %dma_start3A_66] : memref<1000000x32xf32, #tpu.memory_space<hbm>> -> memref<1x32xf32, #tpu.memory_space<hbm>>
        %dma_start3A_68 = arith.constant 0 : i32
        %dma_start3A_69 = tpu.memref_slice %arg14[%add3A_64, %dma_start3A_68] : memref<128x32xf32, #tpu.memory_space<vmem>> -> memref<1x32xf32, #tpu.memory_space<vmem>>
        %dma_start3A_70 = arith.constant 0 : i32
        %dma_start3A_71 = tpu.memref_slice %arg4[%squeeze3A, %dma_start3A_70] : memref<1000000x32xf32, #tpu.memory_space<hbm>> -> memref<1x32xf32, #tpu.memory_space<hbm>>
        tpu.enqueue_dma source(%dma_start3A_71 : memref<1x32xf32, #tpu.memory_space<hbm>>) target(%dma_start3A_69 : memref<1x32xf32, #tpu.memory_space<vmem>>) target_semaphore(%arg18 : memref<!tpu.dma_semaphore, #tpu.memory_space<semaphore_mem>>)
        %slice3A_72 = vector.extract_strided_slice %get3A_60 {offsets = [0], sizes = [1], strides = [1]} : vector<16xi32> to vector<1xi32>
        %squeeze3A_73 = vector.extract %slice3A_72[0] : i32 from vector<1xi32>
        %dma_start3A_74 = arith.constant 0 : i32
        %dma_start3A_75 = tpu.memref_slice %arg16[%add3A_64, %dma_start3A_74] : memref<128x32xf32, #tpu.memory_space<vmem>> -> memref<1x32xf32, #tpu.memory_space<vmem>>
        %dma_start3A_76 = arith.constant 0 : i32
        %dma_start3A_77 = tpu.memref_slice %arg6[%squeeze3A_73, %dma_start3A_76] : memref<1000000x32xf32, #tpu.memory_space<hbm>> -> memref<1x32xf32, #tpu.memory_space<hbm>>
        %dma_start3A_78 = arith.constant 0 : i32
        %dma_start3A_79 = tpu.memref_slice %arg16[%add3A_64, %dma_start3A_78] : memref<128x32xf32, #tpu.memory_space<vmem>> -> memref<1x32xf32, #tpu.memory_space<vmem>>
        %dma_start3A_80 = arith.constant 0 : i32
        %dma_start3A_81 = tpu.memref_slice %arg6[%squeeze3A_73, %dma_start3A_80] : memref<1000000x32xf32, #tpu.memory_space<hbm>> -> memref<1x32xf32, #tpu.memory_space<hbm>>
        tpu.enqueue_dma source(%dma_start3A_81 : memref<1x32xf32, #tpu.memory_space<hbm>>) target(%dma_start3A_79 : memref<1x32xf32, #tpu.memory_space<vmem>>) target_semaphore(%arg20 : memref<!tpu.dma_semaphore, #tpu.memory_space<semaphore_mem>>)
        %mul3A_82 = arith.constant 8 : i32
        %mul3A_83 = arith.muli %scan3A_52, %mul3A_82 : i32
        %add3A_84 = arith.constant 1 : i32
        %add3A_85 = arith.addi %mul3A_83, %add3A_84 : i32
        %slice3A_86 = vector.extract_strided_slice %get3A_60 {offsets = [1], sizes = [1], strides = [1]} : vector<16xi32> to vector<1xi32>
        %squeeze3A_87 = vector.extract %slice3A_86[0] : i32 from vector<1xi32>
        %dma_start3A_88 = arith.constant 0 : i32
        %dma_start3A_89 = tpu.memref_slice %arg14[%add3A_85, %dma_start3A_88] : memref<128x32xf32, #tpu.memory_space<vmem>> -> memref<1x32xf32, #tpu.memory_space<vmem>>
        %dma_start3A_90 = arith.constant 0 : i32
        %dma_start3A_91 = tpu.memref_slice %arg4[%squeeze3A_87, %dma_start3A_90] : memref<1000000x32xf32, #tpu.memory_space<hbm>> -> memref<1x32xf32, #tpu.memory_space<hbm>>
        %dma_start3A_92 = arith.constant 0 : i32
        %dma_start3A_93 = tpu.memref_slice %arg14[%add3A_85, %dma_start3A_92] : memref<128x32xf32, #tpu.memory_space<vmem>> -> memref<1x32xf32, #tpu.memory_space<vmem>>
        %dma_start3A_94 = arith.constant 0 : i32
        %dma_start3A_95 = tpu.memref_slice %arg4[%squeeze3A_87, %dma_start3A_94] : memref<1000000x32xf32, #tpu.memory_space<hbm>> -> memref<1x32xf32, #tpu.memory_space<hbm>>
        tpu.enqueue_dma source(%dma_start3A_95 : memref<1x32xf32, #tpu.memory_space<hbm>>) target(%dma_start3A_93 : memref<1x32xf32, #tpu.memory_space<vmem>>) target_semaphore(%arg18 : memref<!tpu.dma_semaphore, #tpu.memory_space<semaphore_mem>>)
        %slice3A_96 = vector.extract_strided_slice %get3A_60 {offsets = [1], sizes = [1], strides = [1]} : vector<16xi32> to vector<1xi32>
        %squeeze3A_97 = vector.extract %slice3A_96[0] : i32 from vector<1xi32>
        %dma_start3A_98 = arith.constant 0 : i32
        %dma_start3A_99 = tpu.memref_slice %arg16[%add3A_85, %dma_start3A_98] : memref<128x32xf32, #tpu.memory_space<vmem>> -> memref<1x32xf32, #tpu.memory_space<vmem>>
        %dma_start3A_100 = arith.constant 0 : i32
        %dma_start3A_101 = tpu.memref_slice %arg6[%squeeze3A_97, %dma_start3A_100] : memref<1000000x32xf32, #tpu.memory_space<hbm>> -> memref<1x32xf32, #tpu.memory_space<hbm>>
        %dma_start3A_102 = arith.constant 0 : i32
        %dma_start3A_103 = tpu.memref_slice %arg16[%add3A_85, %dma_start3A_102] : memref<128x32xf32, #tpu.memory_space<vmem>> -> memref<1x32xf32, #tpu.memory_space<vmem>>
        %dma_start3A_104 = arith.constant 0 : i32
        %dma_start3A_105 = tpu.memref_slice %arg6[%squeeze3A_97, %dma_start3A_104] : memref<1000000x32xf32, #tpu.memory_space<hbm>> -> memref<1x32xf32, #tpu.memory_space<hbm>>
        tpu.enqueue_dma source(%dma_start3A_105 : memref<1x32xf32, #tpu.memory_space<hbm>>) target(%dma_start3A_103 : memref<1x32xf32, #tpu.memory_space<vmem>>) target_semaphore(%arg20 : memref<!tpu.dma_semaphore, #tpu.memory_space<semaphore_mem>>)
        %mul3A_106 = arith.constant 8 : i32
        %mul3A_107 = arith.muli %scan3A_52, %mul3A_106 : i32
        %add3A_108 = arith.constant 2 : i32
        %add3A_109 = arith.addi %mul3A_107, %add3A_108 : i32
        %slice3A_110 = vector.extract_strided_slice %get3A_60 {offsets = [2], sizes = [1], strides = [1]} : vector<16xi32> to vector<1xi32>
        %squeeze3A_111 = vector.extract %slice3A_110[0] : i32 from vector<1xi32>
        %dma_start3A_112 = arith.constant 0 : i32
        %dma_start3A_113 = tpu.memref_slice %arg14[%add3A_109, %dma_start3A_112] : memref<128x32xf32, #tpu.memory_space<vmem>> -> memref<1x32xf32, #tpu.memory_space<vmem>>
        %dma_start3A_114 = arith.constant 0 : i32
        %dma_start3A_115 = tpu.memref_slice %arg4[%squeeze3A_111, %dma_start3A_114] : memref<1000000x32xf32, #tpu.memory_space<hbm>> -> memref<1x32xf32, #tpu.memory_space<hbm>>
        %dma_start3A_116 = arith.constant 0 : i32
        %dma_start3A_117 = tpu.memref_slice %arg14[%add3A_109, %dma_start3A_116] : memref<128x32xf32, #tpu.memory_space<vmem>> -> memref<1x32xf32, #tpu.memory_space<vmem>>
        %dma_start3A_118 = arith.constant 0 : i32
        %dma_start3A_119 = tpu.memref_slice %arg4[%squeeze3A_111, %dma_start3A_118] : memref<1000000x32xf32, #tpu.memory_space<hbm>> -> memref<1x32xf32, #tpu.memory_space<hbm>>
        tpu.enqueue_dma source(%dma_start3A_119 : memref<1x32xf32, #tpu.memory_space<hbm>>) target(%dma_start3A_117 : memref<1x32xf32, #tpu.memory_space<vmem>>) target_semaphore(%arg18 : memref<!tpu.dma_semaphore, #tpu.memory_space<semaphore_mem>>)
        %slice3A_120 = vector.extract_strided_slice %get3A_60 {offsets = [2], sizes = [1], strides = [1]} : vector<16xi32> to vector<1xi32>
        %squeeze3A_121 = vector.extract %slice3A_120[0] : i32 from vector<1xi32>
        %dma_start3A_122 = arith.constant 0 : i32
        %dma_start3A_123 = tpu.memref_slice %arg16[%add3A_109, %dma_start3A_122] : memref<128x32xf32, #tpu.memory_space<vmem>> -> memref<1x32xf32, #tpu.memory_space<vmem>>
        %dma_start3A_124 = arith.constant 0 : i32
        %dma_start3A_125 = tpu.memref_slice %arg6[%squeeze3A_121, %dma_start3A_124] : memref<1000000x32xf32, #tpu.memory_space<hbm>> -> memref<1x32xf32, #tpu.memory_space<hbm>>
        %dma_start3A_126 = arith.constant 0 : i32
        %dma_start3A_127 = tpu.memref_slice %arg16[%add3A_109, %dma_start3A_126] : memref<128x32xf32, #tpu.memory_space<vmem>> -> memref<1x32xf32, #tpu.memory_space<vmem>>
        %dma_start3A_128 = arith.constant 0 : i32
        %dma_start3A_129 = tpu.memref_slice %arg6[%squeeze3A_121, %dma_start3A_128] : memref<1000000x32xf32, #tpu.memory_space<hbm>> -> memref<1x32xf32, #tpu.memory_space<hbm>>
        tpu.enqueue_dma source(%dma_start3A_129 : memref<1x32xf32, #tpu.memory_space<hbm>>) target(%dma_start3A_127 : memref<1x32xf32, #tpu.memory_space<vmem>>) target_semaphore(%arg20 : memref<!tpu.dma_semaphore, #tpu.memory_space<semaphore_mem>>)
        %mul3A_130 = arith.constant 8 : i32
        %mul3A_131 = arith.muli %scan3A_52, %mul3A_130 : i32
        %add3A_132 = arith.constant 3 : i32
        %add3A_133 = arith.addi %mul3A_131, %add3A_132 : i32
        %slice3A_134 = vector.extract_strided_slice %get3A_60 {offsets = [3], sizes = [1], strides = [1]} : vector<16xi32> to vector<1xi32>
        %squeeze3A_135 = vector.extract %slice3A_134[0] : i32 from vector<1xi32>
        %dma_start3A_136 = arith.constant 0 : i32
        %dma_start3A_137 = tpu.memref_slice %arg14[%add3A_133, %dma_start3A_136] : memref<128x32xf32, #tpu.memory_space<vmem>> -> memref<1x32xf32, #tpu.memory_space<vmem>>
        %dma_start3A_138 = arith.constant 0 : i32
        %dma_start3A_139 = tpu.memref_slice %arg4[%squeeze3A_135, %dma_start3A_138] : memref<1000000x32xf32, #tpu.memory_space<hbm>> -> memref<1x32xf32, #tpu.memory_space<hbm>>
        %dma_start3A_140 = arith.constant 0 : i32
        %dma_start3A_141 = tpu.memref_slice %arg14[%add3A_133, %dma_start3A_140] : memref<128x32xf32, #tpu.memory_space<vmem>> -> memref<1x32xf32, #tpu.memory_space<vmem>>
        %dma_start3A_142 = arith.constant 0 : i32
        %dma_start3A_143 = tpu.memref_slice %arg4[%squeeze3A_135, %dma_start3A_142] : memref<1000000x32xf32, #tpu.memory_space<hbm>> -> memref<1x32xf32, #tpu.memory_space<hbm>>
        tpu.enqueue_dma source(%dma_start3A_143 : memref<1x32xf32, #tpu.memory_space<hbm>>) target(%dma_start3A_141 : memref<1x32xf32, #tpu.memory_space<vmem>>) target_semaphore(%arg18 : memref<!tpu.dma_semaphore, #tpu.memory_space<semaphore_mem>>)
        %slice3A_144 = vector.extract_strided_slice %get3A_60 {offsets = [3], sizes = [1], strides = [1]} : vector<16xi32> to vector<1xi32>
        %squeeze3A_145 = vector.extract %slice3A_144[0] : i32 from vector<1xi32>
        %dma_start3A_146 = arith.constant 0 : i32
        %dma_start3A_147 = tpu.memref_slice %arg16[%add3A_133, %dma_start3A_146] : memref<128x32xf32, #tpu.memory_space<vmem>> -> memref<1x32xf32, #tpu.memory_space<vmem>>
        %dma_start3A_148 = arith.constant 0 : i32
        %dma_start3A_149 = tpu.memref_slice %arg6[%squeeze3A_145, %dma_start3A_148] : memref<1000000x32xf32, #tpu.memory_space<hbm>> -> memref<1x32xf32, #tpu.memory_space<hbm>>
        %dma_start3A_150 = arith.constant 0 : i32
        %dma_start3A_151 = tpu.memref_slice %arg16[%add3A_133, %dma_start3A_150] : memref<128x32xf32, #tpu.memory_space<vmem>> -> memref<1x32xf32, #tpu.memory_space<vmem>>
        %dma_start3A_152 = arith.constant 0 : i32
        %dma_start3A_153 = tpu.memref_slice %arg6[%squeeze3A_145, %dma_start3A_152] : memref<1000000x32xf32, #tpu.memory_space<hbm>> -> memref<1x32xf32, #tpu.memory_space<hbm>>
        tpu.enqueue_dma source(%dma_start3A_153 : memref<1x32xf32, #tpu.memory_space<hbm>>) target(%dma_start3A_151 : memref<1x32xf32, #tpu.memory_space<vmem>>) target_semaphore(%arg20 : memref<!tpu.dma_semaphore, #tpu.memory_space<semaphore_mem>>)
        %mul3A_154 = arith.constant 8 : i32
        %mul3A_155 = arith.muli %scan3A_52, %mul3A_154 : i32
        %add3A_156 = arith.constant 4 : i32
        %add3A_157 = arith.addi %mul3A_155, %add3A_156 : i32
        %slice3A_158 = vector.extract_strided_slice %get3A_60 {offsets = [4], sizes = [1], strides = [1]} : vector<16xi32> to vector<1xi32>
        %squeeze3A_159 = vector.extract %slice3A_158[0] : i32 from vector<1xi32>
        %dma_start3A_160 = arith.constant 0 : i32
        %dma_start3A_161 = tpu.memref_slice %arg14[%add3A_157, %dma_start3A_160] : memref<128x32xf32, #tpu.memory_space<vmem>> -> memref<1x32xf32, #tpu.memory_space<vmem>>
        %dma_start3A_162 = arith.constant 0 : i32
        %dma_start3A_163 = tpu.memref_slice %arg4[%squeeze3A_159, %dma_start3A_162] : memref<1000000x32xf32, #tpu.memory_space<hbm>> -> memref<1x32xf32, #tpu.memory_space<hbm>>
        %dma_start3A_164 = arith.constant 0 : i32
        %dma_start3A_165 = tpu.memref_slice %arg14[%add3A_157, %dma_start3A_164] : memref<128x32xf32, #tpu.memory_space<vmem>> -> memref<1x32xf32, #tpu.memory_space<vmem>>
        %dma_start3A_166 = arith.constant 0 : i32
        %dma_start3A_167 = tpu.memref_slice %arg4[%squeeze3A_159, %dma_start3A_166] : memref<1000000x32xf32, #tpu.memory_space<hbm>> -> memref<1x32xf32, #tpu.memory_space<hbm>>
        tpu.enqueue_dma source(%dma_start3A_167 : memref<1x32xf32, #tpu.memory_space<hbm>>) target(%dma_start3A_165 : memref<1x32xf32, #tpu.memory_space<vmem>>) target_semaphore(%arg18 : memref<!tpu.dma_semaphore, #tpu.memory_space<semaphore_mem>>)
        %slice3A_168 = vector.extract_strided_slice %get3A_60 {offsets = [4], sizes = [1], strides = [1]} : vector<16xi32> to vector<1xi32>
        %squeeze3A_169 = vector.extract %slice3A_168[0] : i32 from vector<1xi32>
        %dma_start3A_170 = arith.constant 0 : i32
        %dma_start3A_171 = tpu.memref_slice %arg16[%add3A_157, %dma_start3A_170] : memref<128x32xf32, #tpu.memory_space<vmem>> -> memref<1x32xf32, #tpu.memory_space<vmem>>
        %dma_start3A_172 = arith.constant 0 : i32
        %dma_start3A_173 = tpu.memref_slice %arg6[%squeeze3A_169, %dma_start3A_172] : memref<1000000x32xf32, #tpu.memory_space<hbm>> -> memref<1x32xf32, #tpu.memory_space<hbm>>
        %dma_start3A_174 = arith.constant 0 : i32
        %dma_start3A_175 = tpu.memref_slice %arg16[%add3A_157, %dma_start3A_174] : memref<128x32xf32, #tpu.memory_space<vmem>> -> memref<1x32xf32, #tpu.memory_space<vmem>>
        %dma_start3A_176 = arith.constant 0 : i32
        %dma_start3A_177 = tpu.memref_slice %arg6[%squeeze3A_169, %dma_start3A_176] : memref<1000000x32xf32, #tpu.memory_space<hbm>> -> memref<1x32xf32, #tpu.memory_space<hbm>>
        tpu.enqueue_dma source(%dma_start3A_177 : memref<1x32xf32, #tpu.memory_space<hbm>>) target(%dma_start3A_175 : memref<1x32xf32, #tpu.memory_space<vmem>>) target_semaphore(%arg20 : memref<!tpu.dma_semaphore, #tpu.memory_space<semaphore_mem>>)
        %mul3A_178 = arith.constant 8 : i32
        %mul3A_179 = arith.muli %scan3A_52, %mul3A_178 : i32
        %add3A_180 = arith.constant 5 : i32
        %add3A_181 = arith.addi %mul3A_179, %add3A_180 : i32
        %slice3A_182 = vector.extract_strided_slice %get3A_60 {offsets = [5], sizes = [1], strides = [1]} : vector<16xi32> to vector<1xi32>
        %squeeze3A_183 = vector.extract %slice3A_182[0] : i32 from vector<1xi32>
        %dma_start3A_184 = arith.constant 0 : i32
        %dma_start3A_185 = tpu.memref_slice %arg14[%add3A_181, %dma_start3A_184] : memref<128x32xf32, #tpu.memory_space<vmem>> -> memref<1x32xf32, #tpu.memory_space<vmem>>
        %dma_start3A_186 = arith.constant 0 : i32
        %dma_start3A_187 = tpu.memref_slice %arg4[%squeeze3A_183, %dma_start3A_186] : memref<1000000x32xf32, #tpu.memory_space<hbm>> -> memref<1x32xf32, #tpu.memory_space<hbm>>
        %dma_start3A_188 = arith.constant 0 : i32
        %dma_start3A_189 = tpu.memref_slice %arg14[%add3A_181, %dma_start3A_188] : memref<128x32xf32, #tpu.memory_space<vmem>> -> memref<1x32xf32, #tpu.memory_space<vmem>>
        %dma_start3A_190 = arith.constant 0 : i32
        %dma_start3A_191 = tpu.memref_slice %arg4[%squeeze3A_183, %dma_start3A_190] : memref<1000000x32xf32, #tpu.memory_space<hbm>> -> memref<1x32xf32, #tpu.memory_space<hbm>>
        tpu.enqueue_dma source(%dma_start3A_191 : memref<1x32xf32, #tpu.memory_space<hbm>>) target(%dma_start3A_189 : memref<1x32xf32, #tpu.memory_space<vmem>>) target_semaphore(%arg18 : memref<!tpu.dma_semaphore, #tpu.memory_space<semaphore_mem>>)
        %slice3A_192 = vector.extract_strided_slice %get3A_60 {offsets = [5], sizes = [1], strides = [1]} : vector<16xi32> to vector<1xi32>
        %squeeze3A_193 = vector.extract %slice3A_192[0] : i32 from vector<1xi32>
        %dma_start3A_194 = arith.constant 0 : i32
        %dma_start3A_195 = tpu.memref_slice %arg16[%add3A_181, %dma_start3A_194] : memref<128x32xf32, #tpu.memory_space<vmem>> -> memref<1x32xf32, #tpu.memory_space<vmem>>
        %dma_start3A_196 = arith.constant 0 : i32
        %dma_start3A_197 = tpu.memref_slice %arg6[%squeeze3A_193, %dma_start3A_196] : memref<1000000x32xf32, #tpu.memory_space<hbm>> -> memref<1x32xf32, #tpu.memory_space<hbm>>
        %dma_start3A_198 = arith.constant 0 : i32
        %dma_start3A_199 = tpu.memref_slice %arg16[%add3A_181, %dma_start3A_198] : memref<128x32xf32, #tpu.memory_space<vmem>> -> memref<1x32xf32, #tpu.memory_space<vmem>>
        %dma_start3A_200 = arith.constant 0 : i32
        %dma_start3A_201 = tpu.memref_slice %arg6[%squeeze3A_193, %dma_start3A_200] : memref<1000000x32xf32, #tpu.memory_space<hbm>> -> memref<1x32xf32, #tpu.memory_space<hbm>>
        tpu.enqueue_dma source(%dma_start3A_201 : memref<1x32xf32, #tpu.memory_space<hbm>>) target(%dma_start3A_199 : memref<1x32xf32, #tpu.memory_space<vmem>>) target_semaphore(%arg20 : memref<!tpu.dma_semaphore, #tpu.memory_space<semaphore_mem>>)
        %mul3A_202 = arith.constant 8 : i32
        %mul3A_203 = arith.muli %scan3A_52, %mul3A_202 : i32
        %add3A_204 = arith.constant 6 : i32
        %add3A_205 = arith.addi %mul3A_203, %add3A_204 : i32
        %slice3A_206 = vector.extract_strided_slice %get3A_60 {offsets = [6], sizes = [1], strides = [1]} : vector<16xi32> to vector<1xi32>
        %squeeze3A_207 = vector.extract %slice3A_206[0] : i32 from vector<1xi32>
        %dma_start3A_208 = arith.constant 0 : i32
        %dma_start3A_209 = tpu.memref_slice %arg14[%add3A_205, %dma_start3A_208] : memref<128x32xf32, #tpu.memory_space<vmem>> -> memref<1x32xf32, #tpu.memory_space<vmem>>
        %dma_start3A_210 = arith.constant 0 : i32
        %dma_start3A_211 = tpu.memref_slice %arg4[%squeeze3A_207, %dma_start3A_210] : memref<1000000x32xf32, #tpu.memory_space<hbm>> -> memref<1x32xf32, #tpu.memory_space<hbm>>
        %dma_start3A_212 = arith.constant 0 : i32
        %dma_start3A_213 = tpu.memref_slice %arg14[%add3A_205, %dma_start3A_212] : memref<128x32xf32, #tpu.memory_space<vmem>> -> memref<1x32xf32, #tpu.memory_space<vmem>>
        %dma_start3A_214 = arith.constant 0 : i32
        %dma_start3A_215 = tpu.memref_slice %arg4[%squeeze3A_207, %dma_start3A_214] : memref<1000000x32xf32, #tpu.memory_space<hbm>> -> memref<1x32xf32, #tpu.memory_space<hbm>>
        tpu.enqueue_dma source(%dma_start3A_215 : memref<1x32xf32, #tpu.memory_space<hbm>>) target(%dma_start3A_213 : memref<1x32xf32, #tpu.memory_space<vmem>>) target_semaphore(%arg18 : memref<!tpu.dma_semaphore, #tpu.memory_space<semaphore_mem>>)
        %slice3A_216 = vector.extract_strided_slice %get3A_60 {offsets = [6], sizes = [1], strides = [1]} : vector<16xi32> to vector<1xi32>
        %squeeze3A_217 = vector.extract %slice3A_216[0] : i32 from vector<1xi32>
        %dma_start3A_218 = arith.constant 0 : i32
        %dma_start3A_219 = tpu.memref_slice %arg16[%add3A_205, %dma_start3A_218] : memref<128x32xf32, #tpu.memory_space<vmem>> -> memref<1x32xf32, #tpu.memory_space<vmem>>
        %dma_start3A_220 = arith.constant 0 : i32
        %dma_start3A_221 = tpu.memref_slice %arg6[%squeeze3A_217, %dma_start3A_220] : memref<1000000x32xf32, #tpu.memory_space<hbm>> -> memref<1x32xf32, #tpu.memory_space<hbm>>
        %dma_start3A_222 = arith.constant 0 : i32
        %dma_start3A_223 = tpu.memref_slice %arg16[%add3A_205, %dma_start3A_222] : memref<128x32xf32, #tpu.memory_space<vmem>> -> memref<1x32xf32, #tpu.memory_space<vmem>>
        %dma_start3A_224 = arith.constant 0 : i32
        %dma_start3A_225 = tpu.memref_slice %arg6[%squeeze3A_217, %dma_start3A_224] : memref<1000000x32xf32, #tpu.memory_space<hbm>> -> memref<1x32xf32, #tpu.memory_space<hbm>>
        tpu.enqueue_dma source(%dma_start3A_225 : memref<1x32xf32, #tpu.memory_space<hbm>>) target(%dma_start3A_223 : memref<1x32xf32, #tpu.memory_space<vmem>>) target_semaphore(%arg20 : memref<!tpu.dma_semaphore, #tpu.memory_space<semaphore_mem>>)
        %mul3A_226 = arith.constant 8 : i32
        %mul3A_227 = arith.muli %scan3A_52, %mul3A_226 : i32
        %add3A_228 = arith.constant 7 : i32
        %add3A_229 = arith.addi %mul3A_227, %add3A_228 : i32
        %slice3A_230 = vector.extract_strided_slice %get3A_60 {offsets = [7], sizes = [1], strides = [1]} : vector<16xi32> to vector<1xi32>
        %squeeze3A_231 = vector.extract %slice3A_230[0] : i32 from vector<1xi32>
        %dma_start3A_232 = arith.constant 0 : i32
        %dma_start3A_233 = tpu.memref_slice %arg14[%add3A_229, %dma_start3A_232] : memref<128x32xf32, #tpu.memory_space<vmem>> -> memref<1x32xf32, #tpu.memory_space<vmem>>
        %dma_start3A_234 = arith.constant 0 : i32
        %dma_start3A_235 = tpu.memref_slice %arg4[%squeeze3A_231, %dma_start3A_234] : memref<1000000x32xf32, #tpu.memory_space<hbm>> -> memref<1x32xf32, #tpu.memory_space<hbm>>
        %dma_start3A_236 = arith.constant 0 : i32
        %dma_start3A_237 = tpu.memref_slice %arg14[%add3A_229, %dma_start3A_236] : memref<128x32xf32, #tpu.memory_space<vmem>> -> memref<1x32xf32, #tpu.memory_space<vmem>>
        %dma_start3A_238 = arith.constant 0 : i32
        %dma_start3A_239 = tpu.memref_slice %arg4[%squeeze3A_231, %dma_start3A_238] : memref<1000000x32xf32, #tpu.memory_space<hbm>> -> memref<1x32xf32, #tpu.memory_space<hbm>>
        tpu.enqueue_dma source(%dma_start3A_239 : memref<1x32xf32, #tpu.memory_space<hbm>>) target(%dma_start3A_237 : memref<1x32xf32, #tpu.memory_space<vmem>>) target_semaphore(%arg18 : memref<!tpu.dma_semaphore, #tpu.memory_space<semaphore_mem>>)
        %slice3A_240 = vector.extract_strided_slice %get3A_60 {offsets = [7], sizes = [1], strides = [1]} : vector<16xi32> to vector<1xi32>
        %squeeze3A_241 = vector.extract %slice3A_240[0] : i32 from vector<1xi32>
        %dma_start3A_242 = arith.constant 0 : i32
        %dma_start3A_243 = tpu.memref_slice %arg16[%add3A_229, %dma_start3A_242] : memref<128x32xf32, #tpu.memory_space<vmem>> -> memref<1x32xf32, #tpu.memory_space<vmem>>
        %dma_start3A_244 = arith.constant 0 : i32
        %dma_start3A_245 = tpu.memref_slice %arg6[%squeeze3A_241, %dma_start3A_244] : memref<1000000x32xf32, #tpu.memory_space<hbm>> -> memref<1x32xf32, #tpu.memory_space<hbm>>
        %dma_start3A_246 = arith.constant 0 : i32
        %dma_start3A_247 = tpu.memref_slice %arg16[%add3A_229, %dma_start3A_246] : memref<128x32xf32, #tpu.memory_space<vmem>> -> memref<1x32xf32, #tpu.memory_space<vmem>>
        %dma_start3A_248 = arith.constant 0 : i32
        %dma_start3A_249 = tpu.memref_slice %arg6[%squeeze3A_241, %dma_start3A_248] : memref<1000000x32xf32, #tpu.memory_space<hbm>> -> memref<1x32xf32, #tpu.memory_space<hbm>>
        tpu.enqueue_dma source(%dma_start3A_249 : memref<1x32xf32, #tpu.memory_space<hbm>>) target(%dma_start3A_247 : memref<1x32xf32, #tpu.memory_space<vmem>>) target_semaphore(%arg20 : memref<!tpu.dma_semaphore, #tpu.memory_space<semaphore_mem>>)
        %scan3A_250 = arith.constant 0 : i32
        scf.yield %scan3A_250 : i32
      }
      %scan3A_17 = arith.constant 16 : i32
      %scan3A_18 = arith.constant 0 : i32
      %scan3A_19 = arith.constant 0 : i32
      %scan3A_20 = arith.constant 16 : i32
      %scan3A_21 = arith.addi %scan3A_19, %scan3A_20 : i32
      %scan3A_22 = arith.constant 1 : i32
      %scan3A_23 = scf.for %scan3A_52 = %scan3A_19 to %scan3A_21 step %scan3A_22 iter_args(%scan3A_53 = %scan3A_18) -> (i32)  : i32 {
        %mul3A_54 = arith.constant 128 : i32
        %mul3A_55 = arith.muli %scan3A_9, %mul3A_54 : i32
        %mul3A_56 = arith.constant 8 : i32
        %mul3A_57 = arith.muli %scan3A_52, %mul3A_56 : i32
        %add3A_58 = arith.addi %mul3A_55, %mul3A_57 : i32
        %get3A = arith.index_cast %add3A_58 : i32 to index
        %get3A_59 = tpu.vector_load %arg13[%get3A] {strides = array<i32>} : memref<528xi32, #tpu.memory_space<vmem>>, vector<16xi32>,
        %get3A_60 = vector.shape_cast %get3A_59 : vector<16xi32> to vector<16xi32>
        %mul3A_61 = arith.constant 8 : i32
        %mul3A_62 = arith.muli %scan3A_52, %mul3A_61 : i32
        %add3A_63 = arith.constant 0 : i32
        %add3A_64 = arith.addi %mul3A_62, %add3A_63 : i32
        %slice3A = vector.extract_strided_slice %get3A_60 {offsets = [0], sizes = [1], strides = [1]} : vector<16xi32> to vector<1xi32>
        %squeeze3A = vector.extract %slice3A[0] : i32 from vector<1xi32>
        %dma_start3A = arith.constant 0 : i32
        %dma_start3A_65 = tpu.memref_slice %arg15[%add3A_64, %dma_start3A] : memref<128x32xf32, #tpu.memory_space<vmem>> -> memref<1x32xf32, #tpu.memory_space<vmem>>
        %dma_start3A_66 = arith.constant 0 : i32
        %dma_start3A_67 = tpu.memref_slice %arg5[%squeeze3A, %dma_start3A_66] : memref<1000000x32xf32, #tpu.memory_space<hbm>> -> memref<1x32xf32, #tpu.memory_space<hbm>>
        %dma_start3A_68 = arith.constant 0 : i32
        %dma_start3A_69 = tpu.memref_slice %arg15[%add3A_64, %dma_start3A_68] : memref<128x32xf32, #tpu.memory_space<vmem>> -> memref<1x32xf32, #tpu.memory_space<vmem>>
        %dma_start3A_70 = arith.constant 0 : i32
        %dma_start3A_71 = tpu.memref_slice %arg5[%squeeze3A, %dma_start3A_70] : memref<1000000x32xf32, #tpu.memory_space<hbm>> -> memref<1x32xf32, #tpu.memory_space<hbm>>
        tpu.enqueue_dma source(%dma_start3A_71 : memref<1x32xf32, #tpu.memory_space<hbm>>) target(%dma_start3A_69 : memref<1x32xf32, #tpu.memory_space<vmem>>) target_semaphore(%arg19 : memref<!tpu.dma_semaphore, #tpu.memory_space<semaphore_mem>>)
        %slice3A_72 = vector.extract_strided_slice %get3A_60 {offsets = [0], sizes = [1], strides = [1]} : vector<16xi32> to vector<1xi32>
        %squeeze3A_73 = vector.extract %slice3A_72[0] : i32 from vector<1xi32>
        %dma_start3A_74 = arith.constant 0 : i32
        %dma_start3A_75 = tpu.memref_slice %arg17[%add3A_64, %dma_start3A_74] : memref<128x32xf32, #tpu.memory_space<vmem>> -> memref<1x32xf32, #tpu.memory_space<vmem>>
        %dma_start3A_76 = arith.constant 0 : i32
        %dma_start3A_77 = tpu.memref_slice %arg7[%squeeze3A_73, %dma_start3A_76] : memref<1000000x32xf32, #tpu.memory_space<hbm>> -> memref<1x32xf32, #tpu.memory_space<hbm>>
        %dma_start3A_78 = arith.constant 0 : i32
        %dma_start3A_79 = tpu.memref_slice %arg17[%add3A_64, %dma_start3A_78] : memref<128x32xf32, #tpu.memory_space<vmem>> -> memref<1x32xf32, #tpu.memory_space<vmem>>
        %dma_start3A_80 = arith.constant 0 : i32
        %dma_start3A_81 = tpu.memref_slice %arg7[%squeeze3A_73, %dma_start3A_80] : memref<1000000x32xf32, #tpu.memory_space<hbm>> -> memref<1x32xf32, #tpu.memory_space<hbm>>
        tpu.enqueue_dma source(%dma_start3A_81 : memref<1x32xf32, #tpu.memory_space<hbm>>) target(%dma_start3A_79 : memref<1x32xf32, #tpu.memory_space<vmem>>) target_semaphore(%arg21 : memref<!tpu.dma_semaphore, #tpu.memory_space<semaphore_mem>>)
        %mul3A_82 = arith.constant 8 : i32
        %mul3A_83 = arith.muli %scan3A_52, %mul3A_82 : i32
        %add3A_84 = arith.constant 1 : i32
        %add3A_85 = arith.addi %mul3A_83, %add3A_84 : i32
        %slice3A_86 = vector.extract_strided_slice %get3A_60 {offsets = [1], sizes = [1], strides = [1]} : vector<16xi32> to vector<1xi32>
        %squeeze3A_87 = vector.extract %slice3A_86[0] : i32 from vector<1xi32>
        %dma_start3A_88 = arith.constant 0 : i32
        %dma_start3A_89 = tpu.memref_slice %arg15[%add3A_85, %dma_start3A_88] : memref<128x32xf32, #tpu.memory_space<vmem>> -> memref<1x32xf32, #tpu.memory_space<vmem>>
        %dma_start3A_90 = arith.constant 0 : i32
        %dma_start3A_91 = tpu.memref_slice %arg5[%squeeze3A_87, %dma_start3A_90] : memref<1000000x32xf32, #tpu.memory_space<hbm>> -> memref<1x32xf32, #tpu.memory_space<hbm>>
        %dma_start3A_92 = arith.constant 0 : i32
        %dma_start3A_93 = tpu.memref_slice %arg15[%add3A_85, %dma_start3A_92] : memref<128x32xf32, #tpu.memory_space<vmem>> -> memref<1x32xf32, #tpu.memory_space<vmem>>
        %dma_start3A_94 = arith.constant 0 : i32
        %dma_start3A_95 = tpu.memref_slice %arg5[%squeeze3A_87, %dma_start3A_94] : memref<1000000x32xf32, #tpu.memory_space<hbm>> -> memref<1x32xf32, #tpu.memory_space<hbm>>
        tpu.enqueue_dma source(%dma_start3A_95 : memref<1x32xf32, #tpu.memory_space<hbm>>) target(%dma_start3A_93 : memref<1x32xf32, #tpu.memory_space<vmem>>) target_semaphore(%arg19 : memref<!tpu.dma_semaphore, #tpu.memory_space<semaphore_mem>>)
        %slice3A_96 = vector.extract_strided_slice %get3A_60 {offsets = [1], sizes = [1], strides = [1]} : vector<16xi32> to vector<1xi32>
        %squeeze3A_97 = vector.extract %slice3A_96[0] : i32 from vector<1xi32>
        %dma_start3A_98 = arith.constant 0 : i32
        %dma_start3A_99 = tpu.memref_slice %arg17[%add3A_85, %dma_start3A_98] : memref<128x32xf32, #tpu.memory_space<vmem>> -> memref<1x32xf32, #tpu.memory_space<vmem>>
        %dma_start3A_100 = arith.constant 0 : i32
        %dma_start3A_101 = tpu.memref_slice %arg7[%squeeze3A_97, %dma_start3A_100] : memref<1000000x32xf32, #tpu.memory_space<hbm>> -> memref<1x32xf32, #tpu.memory_space<hbm>>
        %dma_start3A_102 = arith.constant 0 : i32
        %dma_start3A_103 = tpu.memref_slice %arg17[%add3A_85, %dma_start3A_102] : memref<128x32xf32, #tpu.memory_space<vmem>> -> memref<1x32xf32, #tpu.memory_space<vmem>>
        %dma_start3A_104 = arith.constant 0 : i32
        %dma_start3A_105 = tpu.memref_slice %arg7[%squeeze3A_97, %dma_start3A_104] : memref<1000000x32xf32, #tpu.memory_space<hbm>> -> memref<1x32xf32, #tpu.memory_space<hbm>>
        tpu.enqueue_dma source(%dma_start3A_105 : memref<1x32xf32, #tpu.memory_space<hbm>>) target(%dma_start3A_103 : memref<1x32xf32, #tpu.memory_space<vmem>>) target_semaphore(%arg21 : memref<!tpu.dma_semaphore, #tpu.memory_space<semaphore_mem>>)
        %mul3A_106 = arith.constant 8 : i32
        %mul3A_107 = arith.muli %scan3A_52, %mul3A_106 : i32
        %add3A_108 = arith.constant 2 : i32
        %add3A_109 = arith.addi %mul3A_107, %add3A_108 : i32
        %slice3A_110 = vector.extract_strided_slice %get3A_60 {offsets = [2], sizes = [1], strides = [1]} : vector<16xi32> to vector<1xi32>
        %squeeze3A_111 = vector.extract %slice3A_110[0] : i32 from vector<1xi32>
        %dma_start3A_112 = arith.constant 0 : i32
        %dma_start3A_113 = tpu.memref_slice %arg15[%add3A_109, %dma_start3A_112] : memref<128x32xf32, #tpu.memory_space<vmem>> -> memref<1x32xf32, #tpu.memory_space<vmem>>
        %dma_start3A_114 = arith.constant 0 : i32
        %dma_start3A_115 = tpu.memref_slice %arg5[%squeeze3A_111, %dma_start3A_114] : memref<1000000x32xf32, #tpu.memory_space<hbm>> -> memref<1x32xf32, #tpu.memory_space<hbm>>
        %dma_start3A_116 = arith.constant 0 : i32
        %dma_start3A_117 = tpu.memref_slice %arg15[%add3A_109, %dma_start3A_116] : memref<128x32xf32, #tpu.memory_space<vmem>> -> memref<1x32xf32, #tpu.memory_space<vmem>>
        %dma_start3A_118 = arith.constant 0 : i32
        %dma_start3A_119 = tpu.memref_slice %arg5[%squeeze3A_111, %dma_start3A_118] : memref<1000000x32xf32, #tpu.memory_space<hbm>> -> memref<1x32xf32, #tpu.memory_space<hbm>>
        tpu.enqueue_dma source(%dma_start3A_119 : memref<1x32xf32, #tpu.memory_space<hbm>>) target(%dma_start3A_117 : memref<1x32xf32, #tpu.memory_space<vmem>>) target_semaphore(%arg19 : memref<!tpu.dma_semaphore, #tpu.memory_space<semaphore_mem>>)
        %slice3A_120 = vector.extract_strided_slice %get3A_60 {offsets = [2], sizes = [1], strides = [1]} : vector<16xi32> to vector<1xi32>
        %squeeze3A_121 = vector.extract %slice3A_120[0] : i32 from vector<1xi32>
        %dma_start3A_122 = arith.constant 0 : i32
        %dma_start3A_123 = tpu.memref_slice %arg17[%add3A_109, %dma_start3A_122] : memref<128x32xf32, #tpu.memory_space<vmem>> -> memref<1x32xf32, #tpu.memory_space<vmem>>
        %dma_start3A_124 = arith.constant 0 : i32
        %dma_start3A_125 = tpu.memref_slice %arg7[%squeeze3A_121, %dma_start3A_124] : memref<1000000x32xf32, #tpu.memory_space<hbm>> -> memref<1x32xf32, #tpu.memory_space<hbm>>
        %dma_start3A_126 = arith.constant 0 : i32
        %dma_start3A_127 = tpu.memref_slice %arg17[%add3A_109, %dma_start3A_126] : memref<128x32xf32, #tpu.memory_space<vmem>> -> memref<1x32xf32, #tpu.memory_space<vmem>>
        %dma_start3A_128 = arith.constant 0 : i32
        %dma_start3A_129 = tpu.memref_slice %arg7[%squeeze3A_121, %dma_start3A_128] : memref<1000000x32xf32, #tpu.memory_space<hbm>> -> memref<1x32xf32, #tpu.memory_space<hbm>>
        tpu.enqueue_dma source(%dma_start3A_129 : memref<1x32xf32, #tpu.memory_space<hbm>>) target(%dma_start3A_127 : memref<1x32xf32, #tpu.memory_space<vmem>>) target_semaphore(%arg21 : memref<!tpu.dma_semaphore, #tpu.memory_space<semaphore_mem>>)
        %mul3A_130 = arith.constant 8 : i32
        %mul3A_131 = arith.muli %scan3A_52, %mul3A_130 : i32
        %add3A_132 = arith.constant 3 : i32
        %add3A_133 = arith.addi %mul3A_131, %add3A_132 : i32
        %slice3A_134 = vector.extract_strided_slice %get3A_60 {offsets = [3], sizes = [1], strides = [1]} : vector<16xi32> to vector<1xi32>
        %squeeze3A_135 = vector.extract %slice3A_134[0] : i32 from vector<1xi32>
        %dma_start3A_136 = arith.constant 0 : i32
        %dma_start3A_137 = tpu.memref_slice %arg15[%add3A_133, %dma_start3A_136] : memref<128x32xf32, #tpu.memory_space<vmem>> -> memref<1x32xf32, #tpu.memory_space<vmem>>
        %dma_start3A_138 = arith.constant 0 : i32
        %dma_start3A_139 = tpu.memref_slice %arg5[%squeeze3A_135, %dma_start3A_138] : memref<1000000x32xf32, #tpu.memory_space<hbm>> -> memref<1x32xf32, #tpu.memory_space<hbm>>
        %dma_start3A_140 = arith.constant 0 : i32
        %dma_start3A_141 = tpu.memref_slice %arg15[%add3A_133, %dma_start3A_140] : memref<128x32xf32, #tpu.memory_space<vmem>> -> memref<1x32xf32, #tpu.memory_space<vmem>>
        %dma_start3A_142 = arith.constant 0 : i32
        %dma_start3A_143 = tpu.memref_slice %arg5[%squeeze3A_135, %dma_start3A_142] : memref<1000000x32xf32, #tpu.memory_space<hbm>> -> memref<1x32xf32, #tpu.memory_space<hbm>>
        tpu.enqueue_dma source(%dma_start3A_143 : memref<1x32xf32, #tpu.memory_space<hbm>>) target(%dma_start3A_141 : memref<1x32xf32, #tpu.memory_space<vmem>>) target_semaphore(%arg19 : memref<!tpu.dma_semaphore, #tpu.memory_space<semaphore_mem>>)
        %slice3A_144 = vector.extract_strided_slice %get3A_60 {offsets = [3], sizes = [1], strides = [1]} : vector<16xi32> to vector<1xi32>
        %squeeze3A_145 = vector.extract %slice3A_144[0] : i32 from vector<1xi32>
        %dma_start3A_146 = arith.constant 0 : i32
        %dma_start3A_147 = tpu.memref_slice %arg17[%add3A_133, %dma_start3A_146] : memref<128x32xf32, #tpu.memory_space<vmem>> -> memref<1x32xf32, #tpu.memory_space<vmem>>
        %dma_start3A_148 = arith.constant 0 : i32
        %dma_start3A_149 = tpu.memref_slice %arg7[%squeeze3A_145, %dma_start3A_148] : memref<1000000x32xf32, #tpu.memory_space<hbm>> -> memref<1x32xf32, #tpu.memory_space<hbm>>
        %dma_start3A_150 = arith.constant 0 : i32
        %dma_start3A_151 = tpu.memref_slice %arg17[%add3A_133, %dma_start3A_150] : memref<128x32xf32, #tpu.memory_space<vmem>> -> memref<1x32xf32, #tpu.memory_space<vmem>>
        %dma_start3A_152 = arith.constant 0 : i32
        %dma_start3A_153 = tpu.memref_slice %arg7[%squeeze3A_145, %dma_start3A_152] : memref<1000000x32xf32, #tpu.memory_space<hbm>> -> memref<1x32xf32, #tpu.memory_space<hbm>>
        tpu.enqueue_dma source(%dma_start3A_153 : memref<1x32xf32, #tpu.memory_space<hbm>>) target(%dma_start3A_151 : memref<1x32xf32, #tpu.memory_space<vmem>>) target_semaphore(%arg21 : memref<!tpu.dma_semaphore, #tpu.memory_space<semaphore_mem>>)
        %mul3A_154 = arith.constant 8 : i32
        %mul3A_155 = arith.muli %scan3A_52, %mul3A_154 : i32
        %add3A_156 = arith.constant 4 : i32
        %add3A_157 = arith.addi %mul3A_155, %add3A_156 : i32
        %slice3A_158 = vector.extract_strided_slice %get3A_60 {offsets = [4], sizes = [1], strides = [1]} : vector<16xi32> to vector<1xi32>
        %squeeze3A_159 = vector.extract %slice3A_158[0] : i32 from vector<1xi32>
        %dma_start3A_160 = arith.constant 0 : i32
        %dma_start3A_161 = tpu.memref_slice %arg15[%add3A_157, %dma_start3A_160] : memref<128x32xf32, #tpu.memory_space<vmem>> -> memref<1x32xf32, #tpu.memory_space<vmem>>
        %dma_start3A_162 = arith.constant 0 : i32
        %dma_start3A_163 = tpu.memref_slice %arg5[%squeeze3A_159, %dma_start3A_162] : memref<1000000x32xf32, #tpu.memory_space<hbm>> -> memref<1x32xf32, #tpu.memory_space<hbm>>
        %dma_start3A_164 = arith.constant 0 : i32
        %dma_start3A_165 = tpu.memref_slice %arg15[%add3A_157, %dma_start3A_164] : memref<128x32xf32, #tpu.memory_space<vmem>> -> memref<1x32xf32, #tpu.memory_space<vmem>>
        %dma_start3A_166 = arith.constant 0 : i32
        %dma_start3A_167 = tpu.memref_slice %arg5[%squeeze3A_159, %dma_start3A_166] : memref<1000000x32xf32, #tpu.memory_space<hbm>> -> memref<1x32xf32, #tpu.memory_space<hbm>>
        tpu.enqueue_dma source(%dma_start3A_167 : memref<1x32xf32, #tpu.memory_space<hbm>>) target(%dma_start3A_165 : memref<1x32xf32, #tpu.memory_space<vmem>>) target_semaphore(%arg19 : memref<!tpu.dma_semaphore, #tpu.memory_space<semaphore_mem>>)
        %slice3A_168 = vector.extract_strided_slice %get3A_60 {offsets = [4], sizes = [1], strides = [1]} : vector<16xi32> to vector<1xi32>
        %squeeze3A_169 = vector.extract %slice3A_168[0] : i32 from vector<1xi32>
        %dma_start3A_170 = arith.constant 0 : i32
        %dma_start3A_171 = tpu.memref_slice %arg17[%add3A_157, %dma_start3A_170] : memref<128x32xf32, #tpu.memory_space<vmem>> -> memref<1x32xf32, #tpu.memory_space<vmem>>
        %dma_start3A_172 = arith.constant 0 : i32
        %dma_start3A_173 = tpu.memref_slice %arg7[%squeeze3A_169, %dma_start3A_172] : memref<1000000x32xf32, #tpu.memory_space<hbm>> -> memref<1x32xf32, #tpu.memory_space<hbm>>
        %dma_start3A_174 = arith.constant 0 : i32
        %dma_start3A_175 = tpu.memref_slice %arg17[%add3A_157, %dma_start3A_174] : memref<128x32xf32, #tpu.memory_space<vmem>> -> memref<1x32xf32, #tpu.memory_space<vmem>>
        %dma_start3A_176 = arith.constant 0 : i32
        %dma_start3A_177 = tpu.memref_slice %arg7[%squeeze3A_169, %dma_start3A_176] : memref<1000000x32xf32, #tpu.memory_space<hbm>> -> memref<1x32xf32, #tpu.memory_space<hbm>>
        tpu.enqueue_dma source(%dma_start3A_177 : memref<1x32xf32, #tpu.memory_space<hbm>>) target(%dma_start3A_175 : memref<1x32xf32, #tpu.memory_space<vmem>>) target_semaphore(%arg21 : memref<!tpu.dma_semaphore, #tpu.memory_space<semaphore_mem>>)
        %mul3A_178 = arith.constant 8 : i32
        %mul3A_179 = arith.muli %scan3A_52, %mul3A_178 : i32
        %add3A_180 = arith.constant 5 : i32
        %add3A_181 = arith.addi %mul3A_179, %add3A_180 : i32
        %slice3A_182 = vector.extract_strided_slice %get3A_60 {offsets = [5], sizes = [1], strides = [1]} : vector<16xi32> to vector<1xi32>
        %squeeze3A_183 = vector.extract %slice3A_182[0] : i32 from vector<1xi32>
        %dma_start3A_184 = arith.constant 0 : i32
        %dma_start3A_185 = tpu.memref_slice %arg15[%add3A_181, %dma_start3A_184] : memref<128x32xf32, #tpu.memory_space<vmem>> -> memref<1x32xf32, #tpu.memory_space<vmem>>
        %dma_start3A_186 = arith.constant 0 : i32
        %dma_start3A_187 = tpu.memref_slice %arg5[%squeeze3A_183, %dma_start3A_186] : memref<1000000x32xf32, #tpu.memory_space<hbm>> -> memref<1x32xf32, #tpu.memory_space<hbm>>
        %dma_start3A_188 = arith.constant 0 : i32
        %dma_start3A_189 = tpu.memref_slice %arg15[%add3A_181, %dma_start3A_188] : memref<128x32xf32, #tpu.memory_space<vmem>> -> memref<1x32xf32, #tpu.memory_space<vmem>>
        %dma_start3A_190 = arith.constant 0 : i32
        %dma_start3A_191 = tpu.memref_slice %arg5[%squeeze3A_183, %dma_start3A_190] : memref<1000000x32xf32, #tpu.memory_space<hbm>> -> memref<1x32xf32, #tpu.memory_space<hbm>>
        tpu.enqueue_dma source(%dma_start3A_191 : memref<1x32xf32, #tpu.memory_space<hbm>>) target(%dma_start3A_189 : memref<1x32xf32, #tpu.memory_space<vmem>>) target_semaphore(%arg19 : memref<!tpu.dma_semaphore, #tpu.memory_space<semaphore_mem>>)
        %slice3A_192 = vector.extract_strided_slice %get3A_60 {offsets = [5], sizes = [1], strides = [1]} : vector<16xi32> to vector<1xi32>
        %squeeze3A_193 = vector.extract %slice3A_192[0] : i32 from vector<1xi32>
        %dma_start3A_194 = arith.constant 0 : i32
        %dma_start3A_195 = tpu.memref_slice %arg17[%add3A_181, %dma_start3A_194] : memref<128x32xf32, #tpu.memory_space<vmem>> -> memref<1x32xf32, #tpu.memory_space<vmem>>
        %dma_start3A_196 = arith.constant 0 : i32
        %dma_start3A_197 = tpu.memref_slice %arg7[%squeeze3A_193, %dma_start3A_196] : memref<1000000x32xf32, #tpu.memory_space<hbm>> -> memref<1x32xf32, #tpu.memory_space<hbm>>
        %dma_start3A_198 = arith.constant 0 : i32
        %dma_start3A_199 = tpu.memref_slice %arg17[%add3A_181, %dma_start3A_198] : memref<128x32xf32, #tpu.memory_space<vmem>> -> memref<1x32xf32, #tpu.memory_space<vmem>>
        %dma_start3A_200 = arith.constant 0 : i32
        %dma_start3A_201 = tpu.memref_slice %arg7[%squeeze3A_193, %dma_start3A_200] : memref<1000000x32xf32, #tpu.memory_space<hbm>> -> memref<1x32xf32, #tpu.memory_space<hbm>>
        tpu.enqueue_dma source(%dma_start3A_201 : memref<1x32xf32, #tpu.memory_space<hbm>>) target(%dma_start3A_199 : memref<1x32xf32, #tpu.memory_space<vmem>>) target_semaphore(%arg21 : memref<!tpu.dma_semaphore, #tpu.memory_space<semaphore_mem>>)
        %mul3A_202 = arith.constant 8 : i32
        %mul3A_203 = arith.muli %scan3A_52, %mul3A_202 : i32
        %add3A_204 = arith.constant 6 : i32
        %add3A_205 = arith.addi %mul3A_203, %add3A_204 : i32
        %slice3A_206 = vector.extract_strided_slice %get3A_60 {offsets = [6], sizes = [1], strides = [1]} : vector<16xi32> to vector<1xi32>
        %squeeze3A_207 = vector.extract %slice3A_206[0] : i32 from vector<1xi32>
        %dma_start3A_208 = arith.constant 0 : i32
        %dma_start3A_209 = tpu.memref_slice %arg15[%add3A_205, %dma_start3A_208] : memref<128x32xf32, #tpu.memory_space<vmem>> -> memref<1x32xf32, #tpu.memory_space<vmem>>
        %dma_start3A_210 = arith.constant 0 : i32
        %dma_start3A_211 = tpu.memref_slice %arg5[%squeeze3A_207, %dma_start3A_210] : memref<1000000x32xf32, #tpu.memory_space<hbm>> -> memref<1x32xf32, #tpu.memory_space<hbm>>
        %dma_start3A_212 = arith.constant 0 : i32
        %dma_start3A_213 = tpu.memref_slice %arg15[%add3A_205, %dma_start3A_212] : memref<128x32xf32, #tpu.memory_space<vmem>> -> memref<1x32xf32, #tpu.memory_space<vmem>>
        %dma_start3A_214 = arith.constant 0 : i32
        %dma_start3A_215 = tpu.memref_slice %arg5[%squeeze3A_207, %dma_start3A_214] : memref<1000000x32xf32, #tpu.memory_space<hbm>> -> memref<1x32xf32, #tpu.memory_space<hbm>>
        tpu.enqueue_dma source(%dma_start3A_215 : memref<1x32xf32, #tpu.memory_space<hbm>>) target(%dma_start3A_213 : memref<1x32xf32, #tpu.memory_space<vmem>>) target_semaphore(%arg19 : memref<!tpu.dma_semaphore, #tpu.memory_space<semaphore_mem>>)
        %slice3A_216 = vector.extract_strided_slice %get3A_60 {offsets = [6], sizes = [1], strides = [1]} : vector<16xi32> to vector<1xi32>
        %squeeze3A_217 = vector.extract %slice3A_216[0] : i32 from vector<1xi32>
        %dma_start3A_218 = arith.constant 0 : i32
        %dma_start3A_219 = tpu.memref_slice %arg17[%add3A_205, %dma_start3A_218] : memref<128x32xf32, #tpu.memory_space<vmem>> -> memref<1x32xf32, #tpu.memory_space<vmem>>
        %dma_start3A_220 = arith.constant 0 : i32
        %dma_start3A_221 = tpu.memref_slice %arg7[%squeeze3A_217, %dma_start3A_220] : memref<1000000x32xf32, #tpu.memory_space<hbm>> -> memref<1x32xf32, #tpu.memory_space<hbm>>
        %dma_start3A_222 = arith.constant 0 : i32
        %dma_start3A_223 = tpu.memref_slice %arg17[%add3A_205, %dma_start3A_222] : memref<128x32xf32, #tpu.memory_space<vmem>> -> memref<1x32xf32, #tpu.memory_space<vmem>>
        %dma_start3A_224 = arith.constant 0 : i32
        %dma_start3A_225 = tpu.memref_slice %arg7[%squeeze3A_217, %dma_start3A_224] : memref<1000000x32xf32, #tpu.memory_space<hbm>> -> memref<1x32xf32, #tpu.memory_space<hbm>>
        tpu.enqueue_dma source(%dma_start3A_225 : memref<1x32xf32, #tpu.memory_space<hbm>>) target(%dma_start3A_223 : memref<1x32xf32, #tpu.memory_space<vmem>>) target_semaphore(%arg21 : memref<!tpu.dma_semaphore, #tpu.memory_space<semaphore_mem>>)
        %mul3A_226 = arith.constant 8 : i32
        %mul3A_227 = arith.muli %scan3A_52, %mul3A_226 : i32
        %add3A_228 = arith.constant 7 : i32
        %add3A_229 = arith.addi %mul3A_227, %add3A_228 : i32
        %slice3A_230 = vector.extract_strided_slice %get3A_60 {offsets = [7], sizes = [1], strides = [1]} : vector<16xi32> to vector<1xi32>
        %squeeze3A_231 = vector.extract %slice3A_230[0] : i32 from vector<1xi32>
        %dma_start3A_232 = arith.constant 0 : i32
        %dma_start3A_233 = tpu.memref_slice %arg15[%add3A_229, %dma_start3A_232] : memref<128x32xf32, #tpu.memory_space<vmem>> -> memref<1x32xf32, #tpu.memory_space<vmem>>
        %dma_start3A_234 = arith.constant 0 : i32
        %dma_start3A_235 = tpu.memref_slice %arg5[%squeeze3A_231, %dma_start3A_234] : memref<1000000x32xf32, #tpu.memory_space<hbm>> -> memref<1x32xf32, #tpu.memory_space<hbm>>
        %dma_start3A_236 = arith.constant 0 : i32
        %dma_start3A_237 = tpu.memref_slice %arg15[%add3A_229, %dma_start3A_236] : memref<128x32xf32, #tpu.memory_space<vmem>> -> memref<1x32xf32, #tpu.memory_space<vmem>>
        %dma_start3A_238 = arith.constant 0 : i32
        %dma_start3A_239 = tpu.memref_slice %arg5[%squeeze3A_231, %dma_start3A_238] : memref<1000000x32xf32, #tpu.memory_space<hbm>> -> memref<1x32xf32, #tpu.memory_space<hbm>>
        tpu.enqueue_dma source(%dma_start3A_239 : memref<1x32xf32, #tpu.memory_space<hbm>>) target(%dma_start3A_237 : memref<1x32xf32, #tpu.memory_space<vmem>>) target_semaphore(%arg19 : memref<!tpu.dma_semaphore, #tpu.memory_space<semaphore_mem>>)
        %slice3A_240 = vector.extract_strided_slice %get3A_60 {offsets = [7], sizes = [1], strides = [1]} : vector<16xi32> to vector<1xi32>
        %squeeze3A_241 = vector.extract %slice3A_240[0] : i32 from vector<1xi32>
        %dma_start3A_242 = arith.constant 0 : i32
        %dma_start3A_243 = tpu.memref_slice %arg17[%add3A_229, %dma_start3A_242] : memref<128x32xf32, #tpu.memory_space<vmem>> -> memref<1x32xf32, #tpu.memory_space<vmem>>
        %dma_start3A_244 = arith.constant 0 : i32
        %dma_start3A_245 = tpu.memref_slice %arg7[%squeeze3A_241, %dma_start3A_244] : memref<1000000x32xf32, #tpu.memory_space<hbm>> -> memref<1x32xf32, #tpu.memory_space<hbm>>
        %dma_start3A_246 = arith.constant 0 : i32
        %dma_start3A_247 = tpu.memref_slice %arg17[%add3A_229, %dma_start3A_246] : memref<128x32xf32, #tpu.memory_space<vmem>> -> memref<1x32xf32, #tpu.memory_space<vmem>>
        %dma_start3A_248 = arith.constant 0 : i32
        %dma_start3A_249 = tpu.memref_slice %arg7[%squeeze3A_241, %dma_start3A_248] : memref<1000000x32xf32, #tpu.memory_space<hbm>> -> memref<1x32xf32, #tpu.memory_space<hbm>>
        tpu.enqueue_dma source(%dma_start3A_249 : memref<1x32xf32, #tpu.memory_space<hbm>>) target(%dma_start3A_247 : memref<1x32xf32, #tpu.memory_space<vmem>>) target_semaphore(%arg21 : memref<!tpu.dma_semaphore, #tpu.memory_space<semaphore_mem>>)
        %scan3A_250 = arith.constant 0 : i32
        scf.yield %scan3A_250 : i32
      }
      %scan3A_24 = arith.constant 16 : i32
      %dma_wait3A = arith.constant 0 : i32
      %dma_wait3A_25 = arith.constant 0 : i32
      %dma_wait3A_26 = tpu.memref_slice %arg8[%dma_wait3A, %dma_wait3A_25] : memref<16384x32xf32, #tpu.memory_space<hbm>> -> memref<128x32xf32, #tpu.memory_space<hbm>>
      %dma_wait3A_27 = arith.constant 0 : i32
      %dma_wait3A_28 = arith.constant 0 : i32
      %dma_wait3A_29 = tpu.memref_slice %arg8[%dma_wait3A_27, %dma_wait3A_28] : memref<16384x32xf32, #tpu.memory_space<hbm>> -> memref<128x32xf32, #tpu.memory_space<hbm>>
      tpu.wait_dma2 semaphore(%arg18 : memref<!tpu.dma_semaphore, #tpu.memory_space<semaphore_mem>>) src(%dma_wait3A_29 : memref<128x32xf32, #tpu.memory_space<hbm>>) dst(%arg14 : memref<128x32xf32, #tpu.memory_space<vmem>>)
      %dma_wait3A_30 = arith.constant 0 : i32
      %dma_wait3A_31 = arith.constant 0 : i32
      %dma_wait3A_32 = tpu.memref_slice %arg9[%dma_wait3A_30, %dma_wait3A_31] : memref<16384x32xf32, #tpu.memory_space<hbm>> -> memref<128x32xf32, #tpu.memory_space<hbm>>
      %dma_wait3A_33 = arith.constant 0 : i32
      %dma_wait3A_34 = arith.constant 0 : i32
      %dma_wait3A_35 = tpu.memref_slice %arg9[%dma_wait3A_33, %dma_wait3A_34] : memref<16384x32xf32, #tpu.memory_space<hbm>> -> memref<128x32xf32, #tpu.memory_space<hbm>>
      tpu.wait_dma2 semaphore(%arg19 : memref<!tpu.dma_semaphore, #tpu.memory_space<semaphore_mem>>) src(%dma_wait3A_35 : memref<128x32xf32, #tpu.memory_space<hbm>>) dst(%arg15 : memref<128x32xf32, #tpu.memory_space<vmem>>)
      %dma_wait3A_36 = arith.constant 0 : i32
      %dma_wait3A_37 = arith.constant 0 : i32
      %dma_wait3A_38 = tpu.memref_slice %arg10[%dma_wait3A_36, %dma_wait3A_37] : memref<16384x32xf32, #tpu.memory_space<hbm>> -> memref<128x32xf32, #tpu.memory_space<hbm>>
      %dma_wait3A_39 = arith.constant 0 : i32
      %dma_wait3A_40 = arith.constant 0 : i32
      %dma_wait3A_41 = tpu.memref_slice %arg10[%dma_wait3A_39, %dma_wait3A_40] : memref<16384x32xf32, #tpu.memory_space<hbm>> -> memref<128x32xf32, #tpu.memory_space<hbm>>
      tpu.wait_dma2 semaphore(%arg20 : memref<!tpu.dma_semaphore, #tpu.memory_space<semaphore_mem>>) src(%dma_wait3A_41 : memref<128x32xf32, #tpu.memory_space<hbm>>) dst(%arg16 : memref<128x32xf32, #tpu.memory_space<vmem>>)
      %dma_wait3A_42 = arith.constant 0 : i32
      %dma_wait3A_43 = arith.constant 0 : i32
      %dma_wait3A_44 = tpu.memref_slice %arg11[%dma_wait3A_42, %dma_wait3A_43] : memref<16384x32xf32, #tpu.memory_space<hbm>> -> memref<128x32xf32, #tpu.memory_space<hbm>>
      %dma_wait3A_45 = arith.constant 0 : i32
      %dma_wait3A_46 = arith.constant 0 : i32
      %dma_wait3A_47 = tpu.memref_slice %arg11[%dma_wait3A_45, %dma_wait3A_46] : memref<16384x32xf32, #tpu.memory_space<hbm>> -> memref<128x32xf32, #tpu.memory_space<hbm>>
      tpu.wait_dma2 semaphore(%arg21 : memref<!tpu.dma_semaphore, #tpu.memory_space<semaphore_mem>>) src(%dma_wait3A_47 : memref<128x32xf32, #tpu.memory_space<hbm>>) dst(%arg17 : memref<128x32xf32, #tpu.memory_space<vmem>>)
      %mul3A_48 = arith.constant 128 : i32
      %mul3A_49 = arith.muli %scan3A_9, %mul3A_48 : i32
      %add3A_50 = arith.addi %mul3A_2, %mul3A_49 : i32
      "tpu.region"() ({
        %run_scoped3A = tpu.sem_alloc : memref<!tpu.dma_semaphore, #tpu.memory_space<semaphore_mem>>
        %dma_start3A = arith.constant 0 : i32
        %dma_start3A_52 = tpu.memref_slice %arg8[%add3A_50, %dma_start3A] : memref<16384x32xf32, #tpu.memory_space<hbm>> -> memref<128x32xf32, #tpu.memory_space<hbm>>
        %dma_start3A_53 = arith.constant 0 : i32
        %dma_start3A_54 = tpu.memref_slice %arg8[%add3A_50, %dma_start3A_53] : memref<16384x32xf32, #tpu.memory_space<hbm>> -> memref<128x32xf32, #tpu.memory_space<hbm>>
        tpu.enqueue_dma source(%arg14 : memref<128x32xf32, #tpu.memory_space<vmem>>) target(%dma_start3A_54 : memref<128x32xf32, #tpu.memory_space<hbm>>) target_semaphore(%run_scoped3A : memref<!tpu.dma_semaphore, #tpu.memory_space<semaphore_mem>>)
        %dma_wait3A_55 = arith.constant 0 : i32
        %dma_wait3A_56 = tpu.memref_slice %arg8[%add3A_50, %dma_wait3A_55] : memref<16384x32xf32, #tpu.memory_space<hbm>> -> memref<128x32xf32, #tpu.memory_space<hbm>>
        %dma_wait3A_57 = arith.constant 0 : i32
        %dma_wait3A_58 = tpu.memref_slice %arg8[%add3A_50, %dma_wait3A_57] : memref<16384x32xf32, #tpu.memory_space<hbm>> -> memref<128x32xf32, #tpu.memory_space<hbm>>
        tpu.wait_dma2 semaphore(%run_scoped3A : memref<!tpu.dma_semaphore, #tpu.memory_space<semaphore_mem>>) src(%arg14 : memref<128x32xf32, #tpu.memory_space<vmem>>) dst(%dma_wait3A_58 : memref<128x32xf32, #tpu.memory_space<hbm>>)
        tpu.yield
      }) : () -> ()
      "tpu.region"() ({
        %run_scoped3A = tpu.sem_alloc : memref<!tpu.dma_semaphore, #tpu.memory_space<semaphore_mem>>
        %dma_start3A = arith.constant 0 : i32
        %dma_start3A_52 = tpu.memref_slice %arg9[%add3A_50, %dma_start3A] : memref<16384x32xf32, #tpu.memory_space<hbm>> -> memref<128x32xf32, #tpu.memory_space<hbm>>
        %dma_start3A_53 = arith.constant 0 : i32
        %dma_start3A_54 = tpu.memref_slice %arg9[%add3A_50, %dma_start3A_53] : memref<16384x32xf32, #tpu.memory_space<hbm>> -> memref<128x32xf32, #tpu.memory_space<hbm>>
        tpu.enqueue_dma source(%arg15 : memref<128x32xf32, #tpu.memory_space<vmem>>) target(%dma_start3A_54 : memref<128x32xf32, #tpu.memory_space<hbm>>) target_semaphore(%run_scoped3A : memref<!tpu.dma_semaphore, #tpu.memory_space<semaphore_mem>>)
        %dma_wait3A_55 = arith.constant 0 : i32
        %dma_wait3A_56 = tpu.memref_slice %arg9[%add3A_50, %dma_wait3A_55] : memref<16384x32xf32, #tpu.memory_space<hbm>> -> memref<128x32xf32, #tpu.memory_space<hbm>>
        %dma_wait3A_57 = arith.constant 0 : i32
        %dma_wait3A_58 = tpu.memref_slice %arg9[%add3A_50, %dma_wait3A_57] : memref<16384x32xf32, #tpu.memory_space<hbm>> -> memref<128x32xf32, #tpu.memory_space<hbm>>
        tpu.wait_dma2 semaphore(%run_scoped3A : memref<!tpu.dma_semaphore, #tpu.memory_space<semaphore_mem>>) src(%arg15 : memref<128x32xf32, #tpu.memory_space<vmem>>) dst(%dma_wait3A_58 : memref<128x32xf32, #tpu.memory_space<hbm>>)
        tpu.yield
      }) : () -> ()
      "tpu.region"() ({
        %run_scoped3A = tpu.sem_alloc : memref<!tpu.dma_semaphore, #tpu.memory_space<semaphore_mem>>
        %dma_start3A = arith.constant 0 : i32
        %dma_start3A_52 = tpu.memref_slice %arg10[%add3A_50, %dma_start3A] : memref<16384x32xf32, #tpu.memory_space<hbm>> -> memref<128x32xf32, #tpu.memory_space<hbm>>
        %dma_start3A_53 = arith.constant 0 : i32
        %dma_start3A_54 = tpu.memref_slice %arg10[%add3A_50, %dma_start3A_53] : memref<16384x32xf32, #tpu.memory_space<hbm>> -> memref<128x32xf32, #tpu.memory_space<hbm>>
        tpu.enqueue_dma source(%arg16 : memref<128x32xf32, #tpu.memory_space<vmem>>) target(%dma_start3A_54 : memref<128x32xf32, #tpu.memory_space<hbm>>) target_semaphore(%run_scoped3A : memref<!tpu.dma_semaphore, #tpu.memory_space<semaphore_mem>>)
        %dma_wait3A_55 = arith.constant 0 : i32
        %dma_wait3A_56 = tpu.memref_slice %arg10[%add3A_50, %dma_wait3A_55] : memref<16384x32xf32, #tpu.memory_space<hbm>> -> memref<128x32xf32, #tpu.memory_space<hbm>>
        %dma_wait3A_57 = arith.constant 0 : i32
        %dma_wait3A_58 = tpu.memref_slice %arg10[%add3A_50, %dma_wait3A_57] : memref<16384x32xf32, #tpu.memory_space<hbm>> -> memref<128x32xf32, #tpu.memory_space<hbm>>
        tpu.wait_dma2 semaphore(%run_scoped3A : memref<!tpu.dma_semaphore, #tpu.memory_space<semaphore_mem>>) src(%arg16 : memref<128x32xf32, #tpu.memory_space<vmem>>) dst(%dma_wait3A_58 : memref<128x32xf32, #tpu.memory_space<hbm>>)
        tpu.yield
      }) : () -> ()
      "tpu.region"() ({
        %run_scoped3A = tpu.sem_alloc : memref<!tpu.dma_semaphore, #tpu.memory_space<semaphore_mem>>
        %dma_start3A = arith.constant 0 : i32
        %dma_start3A_52 = tpu.memref_slice %arg11[%add3A_50, %dma_start3A] : memref<16384x32xf32, #tpu.memory_space<hbm>> -> memref<128x32xf32, #tpu.memory_space<hbm>>
        %dma_start3A_53 = arith.constant 0 : i32
        %dma_start3A_54 = tpu.memref_slice %arg11[%add3A_50, %dma_start3A_53] : memref<16384x32xf32, #tpu.memory_space<hbm>> -> memref<128x32xf32, #tpu.memory_space<hbm>>
        tpu.enqueue_dma source(%arg17 : memref<128x32xf32, #tpu.memory_space<vmem>>) target(%dma_start3A_54 : memref<128x32xf32, #tpu.memory_space<hbm>>) target_semaphore(%run_scoped3A : memref<!tpu.dma_semaphore, #tpu.memory_space<semaphore_mem>>)
        %dma_wait3A_55 = arith.constant 0 : i32
        %dma_wait3A_56 = tpu.memref_slice %arg11[%add3A_50, %dma_wait3A_55] : memref<16384x32xf32, #tpu.memory_space<hbm>> -> memref<128x32xf32, #tpu.memory_space<hbm>>
        %dma_wait3A_57 = arith.constant 0 : i32
        %dma_wait3A_58 = tpu.memref_slice %arg11[%add3A_50, %dma_wait3A_57] : memref<16384x32xf32, #tpu.memory_space<hbm>> -> memref<128x32xf32, #tpu.memory_space<hbm>>
        tpu.wait_dma2 semaphore(%run_scoped3A : memref<!tpu.dma_semaphore, #tpu.memory_space<semaphore_mem>>) src(%arg17 : memref<128x32xf32, #tpu.memory_space<vmem>>) dst(%dma_wait3A_58 : memref<128x32xf32, #tpu.memory_space<hbm>>)
        tpu.yield
      }) : () -> ()
      %scan3A_51 = arith.constant 0 : i32
      scf.yield %scan3A_51 : i32
    }
    %scan3A_8 = arith.constant 4 : i32
    return
  }
}

module attributes {stable_mosaic.version = 14 : i64} {
  func.func @_mlp_body(%arg0: i32, %arg1: memref<2048x32xf32, #tpu.memory_space<vmem>>, %arg2: memref<2048x32xf32, #tpu.memory_space<vmem>>, %arg3: memref<2048x32xf32, #tpu.memory_space<vmem>>, %arg4: memref<2048x32xf32, #tpu.memory_space<vmem>>, %arg5: memref<64x64xf32, #tpu.memory_space<vmem>>, %arg6: memref<1x64xf32, #tpu.memory_space<vmem>>, %arg7: memref<32x64xf32, #tpu.memory_space<vmem>>, %arg8: memref<1x32xf32, #tpu.memory_space<vmem>>, %arg9: memref<1x64xf32, #tpu.memory_space<vmem>>, %arg10: memref<1x1xf32, #tpu.memory_space<vmem>>, %arg11: memref<2048x1xf32, #tpu.memory_space<vmem>>) attributes {dimension_semantics = [#tpu.dimension_semantics<arbitrary>], iteration_bounds = array<i64: 8>, scalar_prefetch = 0 : i64, scratch_operands = 0 : i64, tpu.core_type = #tpu.core_type<tc>, window_params = [{transform_indices = @transform_0, window_bounds = array<i64: 2048, 32>}, {transform_indices = @transform_1, window_bounds = array<i64: 2048, 32>}, {transform_indices = @transform_2, window_bounds = array<i64: 2048, 32>}, {transform_indices = @transform_3, window_bounds = array<i64: 2048, 32>}, {pipeline_mode = #tpu.pipeline_mode<synchronous>, transform_indices = @transform_4, window_bounds = array<i64: 64, 64>}, {pipeline_mode = #tpu.pipeline_mode<synchronous>, transform_indices = @transform_5, window_bounds = array<i64: 1, 64>}, {pipeline_mode = #tpu.pipeline_mode<synchronous>, transform_indices = @transform_6, window_bounds = array<i64: 32, 64>}, {pipeline_mode = #tpu.pipeline_mode<synchronous>, transform_indices = @transform_7, window_bounds = array<i64: 1, 32>}, {pipeline_mode = #tpu.pipeline_mode<synchronous>, transform_indices = @transform_8, window_bounds = array<i64: 1, 64>}, {pipeline_mode = #tpu.pipeline_mode<synchronous>, transform_indices = @transform_9, window_bounds = array<i64: 1, 1>}, {transform_indices = @transform_10, window_bounds = array<i64: 2048, 1>}]} {
    %get3A = arith.constant 0 : index
    %get3A_0 = arith.constant 0 : index
    %get3A_1 = vector.load %arg1[%get3A, %get3A_0] : memref<2048x32xf32, #tpu.memory_space<vmem>>, vector<2048x32xf32>
    %get3A_2 = arith.constant 0 : index
    %get3A_3 = arith.constant 0 : index
    %get3A_4 = vector.load %arg2[%get3A_2, %get3A_3] : memref<2048x32xf32, #tpu.memory_space<vmem>>, vector<2048x32xf32>
    %mul3A = arith.mulf %get3A_1, %get3A_4 : vector<2048x32xf32>
    %get3A_5 = arith.constant 0 : index
    %get3A_6 = arith.constant 0 : index
    %get3A_7 = vector.load %arg5[%get3A_5, %get3A_6] : memref<64x64xf32, #tpu.memory_space<vmem>>, vector<64x64xf32>
    %get3A_8 = arith.constant 0 : index
    %get3A_9 = arith.constant 0 : index
    %get3A_10 = vector.load %arg3[%get3A_8, %get3A_9] : memref<2048x32xf32, #tpu.memory_space<vmem>>, vector<2048x32xf32>
    %slice3A = vector.extract_strided_slice %get3A_7 {offsets = [0, 0], sizes = [64, 32], strides = [1, 1]} : vector<64x64xf32> to vector<64x32xf32>
    %dot_general3A = arith.constant dense<0.000000e+00> : vector<2048x64xf32>
    %dot_general3A_11 = tpu.matmul %get3A_10, %slice3A, %dot_general3A {dimension_numbers = #tpu.dot_dimension_numbers<[1], [1], [0], [0], [0, 0, 1, 0], [], []>, transpose_lhs_hint = false} : vector<2048x32xf32>, vector<64x32xf32>, vector<2048x64xf32> -> vector<2048x64xf32>
    %get3A_12 = arith.constant 0 : index
    %get3A_13 = arith.constant 0 : index
    %get3A_14 = vector.load %arg4[%get3A_12, %get3A_13] : memref<2048x32xf32, #tpu.memory_space<vmem>>, vector<2048x32xf32>
    %slice3A_15 = vector.extract_strided_slice %get3A_7 {offsets = [0, 32], sizes = [64, 32], strides = [1, 1]} : vector<64x64xf32> to vector<64x32xf32>
    %dot_general3A_16 = arith.constant dense<0.000000e+00> : vector<2048x64xf32>
    %dot_general3A_17 = tpu.matmul %get3A_14, %slice3A_15, %dot_general3A_16 {dimension_numbers = #tpu.dot_dimension_numbers<[1], [1], [0], [0], [0, 0, 1, 0], [], []>, transpose_lhs_hint = false} : vector<2048x32xf32>, vector<64x32xf32>, vector<2048x64xf32> -> vector<2048x64xf32>
    %add3A = arith.addf %dot_general3A_11, %dot_general3A_17 : vector<2048x64xf32>
    %get3A_18 = arith.constant 0 : index
    %get3A_19 = arith.constant 0 : index
    %get3A_20 = vector.load %arg6[%get3A_18, %get3A_19] : memref<1x64xf32, #tpu.memory_space<vmem>>, vector<1x64xf32>
    %add3A_21 = vector.broadcast %get3A_20 : vector<1x64xf32> to vector<2048x64xf32>
    %add3A_22 = arith.addf %add3A, %add3A_21 : vector<2048x64xf32>
    %max3A = arith.constant 0.000000e+00 : f32
    %max3A_23 = vector.broadcast %max3A : f32 to vector<2048x64xf32>
    %max3A_24 = arith.maximumf %add3A_22, %max3A_23 : vector<2048x64xf32>
    %get3A_25 = arith.constant 0 : index
    %get3A_26 = arith.constant 0 : index
    %get3A_27 = vector.load %arg7[%get3A_25, %get3A_26] : memref<32x64xf32, #tpu.memory_space<vmem>>, vector<32x64xf32>
    %dot_general3A_28 = arith.constant dense<0.000000e+00> : vector<2048x32xf32>
    %dot_general3A_29 = tpu.matmul %max3A_24, %get3A_27, %dot_general3A_28 {dimension_numbers = #tpu.dot_dimension_numbers<[1], [1], [0], [0], [0, 0, 1, 0], [], []>, transpose_lhs_hint = false} : vector<2048x64xf32>, vector<32x64xf32>, vector<2048x32xf32> -> vector<2048x32xf32>
    %get3A_30 = arith.constant 0 : index
    %get3A_31 = arith.constant 0 : index
    %get3A_32 = vector.load %arg8[%get3A_30, %get3A_31] : memref<1x32xf32, #tpu.memory_space<vmem>>, vector<1x32xf32>
    %add3A_33 = vector.broadcast %get3A_32 : vector<1x32xf32> to vector<2048x32xf32>
    %add3A_34 = arith.addf %dot_general3A_29, %add3A_33 : vector<2048x32xf32>
    %max3A_35 = arith.constant 0.000000e+00 : f32
    %max3A_36 = vector.broadcast %max3A_35 : f32 to vector<2048x32xf32>
    %max3A_37 = arith.maximumf %add3A_34, %max3A_36 : vector<2048x32xf32>
    %get3A_38 = arith.constant 0 : index
    %get3A_39 = arith.constant 0 : index
    %get3A_40 = vector.load %arg9[%get3A_38, %get3A_39] : memref<1x64xf32, #tpu.memory_space<vmem>>, vector<1x64xf32>
    %slice3A_41 = vector.extract_strided_slice %get3A_40 {offsets = [0, 0], sizes = [1, 32], strides = [1, 1]} : vector<1x64xf32> to vector<1x32xf32>
    %dot_general3A_42 = arith.constant dense<0.000000e+00> : vector<2048x1xf32>
    %dot_general3A_43 = tpu.matmul %mul3A, %slice3A_41, %dot_general3A_42 {dimension_numbers = #tpu.dot_dimension_numbers<[1], [1], [0], [0], [0, 0, 1, 0], [], []>, transpose_lhs_hint = false} : vector<2048x32xf32>, vector<1x32xf32>, vector<2048x1xf32> -> vector<2048x1xf32>
    %slice3A_44 = vector.extract_strided_slice %get3A_40 {offsets = [0, 32], sizes = [1, 32], strides = [1, 1]} : vector<1x64xf32> to vector<1x32xf32>
    %dot_general3A_45 = arith.constant dense<0.000000e+00> : vector<2048x1xf32>
    %dot_general3A_46 = tpu.matmul %max3A_37, %slice3A_44, %dot_general3A_45 {dimension_numbers = #tpu.dot_dimension_numbers<[1], [1], [0], [0], [0, 0, 1, 0], [], []>, transpose_lhs_hint = false} : vector<2048x32xf32>, vector<1x32xf32>, vector<2048x1xf32> -> vector<2048x1xf32>
    %add3A_47 = arith.addf %dot_general3A_43, %dot_general3A_46 : vector<2048x1xf32>
    %get3A_48 = arith.constant 0 : index
    %get3A_49 = arith.constant 0 : index
    %get3A_50 = vector.load %arg10[%get3A_48, %get3A_49] : memref<1x1xf32, #tpu.memory_space<vmem>>, vector<1x1xf32>
    %add3A_51 = vector.broadcast %get3A_50 : vector<1x1xf32> to vector<2048x1xf32>
    %add3A_52 = arith.addf %add3A_47, %add3A_51 : vector<2048x1xf32>
    %logistic3A = arith.negf %add3A_52 : vector<2048x1xf32>
    %logistic3A_53 = math.exp %logistic3A : vector<2048x1xf32>
    %logistic3A_54 = arith.constant 1.000000e+00 : f32
    %logistic3A_55 = vector.broadcast %logistic3A_54 : f32 to vector<2048x1xf32>
    %logistic3A_56 = arith.addf %logistic3A_55, %logistic3A_53 : vector<2048x1xf32>
    %logistic3A_57 = arith.divf %logistic3A_55, %logistic3A_56 : vector<2048x1xf32>
    %mul3A_58 = arith.constant 5.000000e+00 : f32
    %mul3A_59 = vector.broadcast %mul3A_58 : f32 to vector<2048x1xf32>
    %mul3A_60 = arith.mulf %logistic3A_57, %mul3A_59 : vector<2048x1xf32>
    %swap3A = arith.constant 0 : index
    %swap3A_61 = arith.constant 0 : index
    %swap3A_62 = vector.load %arg11[%swap3A, %swap3A_61] : memref<2048x1xf32, #tpu.memory_space<vmem>>, vector<2048x1xf32>
    tpu.vector_store %arg11[%swap3A, %swap3A_61], %mul3A_60 {strides = array<i32>} : memref<2048x1xf32, #tpu.memory_space<vmem>>, vector<2048x1xf32>,
    return
  }
  func.func @transform_0(%arg0: i32) -> (i32, i32) {
    %c0_i32 = arith.constant 0 : i32
    %c0_i32_0 = arith.constant 0 : i32
    return %arg0, %c0_i32 : i32, i32
  }
  func.func @transform_1(%arg0: i32) -> (i32, i32) {
    %c0_i32 = arith.constant 0 : i32
    %c0_i32_0 = arith.constant 0 : i32
    return %arg0, %c0_i32 : i32, i32
  }
  func.func @transform_2(%arg0: i32) -> (i32, i32) {
    %c0_i32 = arith.constant 0 : i32
    %c0_i32_0 = arith.constant 0 : i32
    return %arg0, %c0_i32 : i32, i32
  }
  func.func @transform_3(%arg0: i32) -> (i32, i32) {
    %c0_i32 = arith.constant 0 : i32
    %c0_i32_0 = arith.constant 0 : i32
    return %arg0, %c0_i32 : i32, i32
  }
  func.func @transform_4(%arg0: i32) -> (i32, i32) {
    %c0_i32 = arith.constant 0 : i32
    %c0_i32_0 = arith.constant 0 : i32
    %c0_i32_1 = arith.constant 0 : i32
    return %c0_i32, %c0_i32_0 : i32, i32
  }
  func.func @transform_5(%arg0: i32) -> (i32, i32) {
    %c0_i32 = arith.constant 0 : i32
    %c0_i32_0 = arith.constant 0 : i32
    %c0_i32_1 = arith.constant 0 : i32
    return %c0_i32, %c0_i32_0 : i32, i32
  }
  func.func @transform_6(%arg0: i32) -> (i32, i32) {
    %c0_i32 = arith.constant 0 : i32
    %c0_i32_0 = arith.constant 0 : i32
    %c0_i32_1 = arith.constant 0 : i32
    return %c0_i32, %c0_i32_0 : i32, i32
  }
  func.func @transform_7(%arg0: i32) -> (i32, i32) {
    %c0_i32 = arith.constant 0 : i32
    %c0_i32_0 = arith.constant 0 : i32
    %c0_i32_1 = arith.constant 0 : i32
    return %c0_i32, %c0_i32_0 : i32, i32
  }
  func.func @transform_8(%arg0: i32) -> (i32, i32) {
    %c0_i32 = arith.constant 0 : i32
    %c0_i32_0 = arith.constant 0 : i32
    %c0_i32_1 = arith.constant 0 : i32
    return %c0_i32, %c0_i32_0 : i32, i32
  }
  func.func @transform_9(%arg0: i32) -> (i32, i32) {
    %c0_i32 = arith.constant 0 : i32
    %c0_i32_0 = arith.constant 0 : i32
    %c0_i32_1 = arith.constant 0 : i32
    return %c0_i32, %c0_i32_0 : i32, i32
  }
  func.func @transform_10(%arg0: i32) -> (i32, i32) {
    %c0_i32 = arith.constant 0 : i32
    %c0_i32_0 = arith.constant 0 : i32
    return %arg0, %c0_i32 : i32, i32
  }
}

</mosaic_0001>

<sc_bundles>
// kernel: kernel.4.cloned.1.call-start
scs
__scs_entry_jumppad:
0x0: {  	(pc) =	sbr.rel $0x88, $3  }
0x1: {  	(tag) =	ssettag $0x0;
	lr =	simm.s32 $0x1  }
0x2: {  	[smem:$0x3F95] =	sst lr;
	_ =	strace $0xD0000000  }
0x3: {  	_ = 	snop  }
0x4: {  	_ = 	snop  }
0x5: {  	_ = 	snop  }
0x6: {  	_ = 	snop  }
0x7: {  	_ = 	snop  }
__scs_overlays_trampoline_lowered:
0x8: {  	[smem:$0x3FA4] =	sst s0  }
0x9: {  	[smem:$0x3FA5] =	sst s1  }
0xa: {  	[smem:$0x3FA6] =	sst s2  }
0xb: {  	[smem:$0x3FA7] =	sst s3  }
0xc: {  	[smem:$0x3FA8] =	sst s4  }
0xd: {  	[smem:$0x3FA9] =	sst s5  }
0xe: {  	[smem:$0x3FAA] =	sst s6  }
0xf: {  	[smem:$0x3FAB] =	sst s7  }
0x10: {  	[smem:$0x3FAC] =	sst s8  }
0x11: {  	[smem:$0x3FAD] =	sst s9;
	s0 =	simm.s32 @!p0 $0x0  }
0x12: {  	s1 =	sld [smem:$0x3F93];
	s0 =	simm.s32 @p0 $0x1  }
0x13: {  	[smem:$0x3FAE] =	sst s0;
	s0 =	simm.s32 @!p1 $0x0  }
0x14: {  	s2 =	sld [smem:$0x3F92];
	s0 =	simm.s32 @p1 $0x1  }
0x15: {  	[smem:$0x3FAF] =	sst s0;
	s0 =	simm.s32 @!p2 $0x0  }
0x16: {  	s3 =	sld [smem:$0x3FDB];
	s0 =	simm.s32 @p2 $0x1  }
0x17: {  	s4 =	simm.s32 $0x1BF5;
	[smem:$0x3FB1] =	sst s0  }
0x18: {  	s0 =	sld [smem:$0x3F94];
	_ =	swait.ge [sflag:s4], $0x0  }
0x19: {  	s7 =	sld [smem:$0x3F95]  }
0x1a: {  	s8 =	sadd.s32 $0xFFFFE003, lr  }
0x1b: {  	s9 =	sadd.s32 $0xFFFFFEF7, lr;
	s5 =	simm.s32 $0xFFFFFFFF;
	p2 =	slt.u32 s8, $0xFFFFF086  }
0x1c: {  	p1 =	slt.u32 s9, $0xF7A;
	s5 =	simm.s32 @!p2 $0x0  }
0x1d: {  	s5 =	simm.s32 @p1 $0x1;
	p0 =	seq.s32 s7, s2  }
0x1e: {  	s7 =	smul.u32 @!p0 $0xF7A, s2;
	p2 =	seq.s32 @!p0 s5, $0x0  }
0x1f: {  	s9 =	smul.u32 $0xF7A, s1;
	s8 =	simm.s32 @!p0 $0x1BF5;
	p2 =	por !p2, p0  }
0x20: {  	[sflag:s8] =	ssyncset.s32 @!p0 $0xFFFFF086;
	s6 =	sadd.s32 @!p0 s3, s7;
	s7 =	simm.s32 @!p0 $0x108  }
0x21: {  	s3 =	sadd.s32 s3, s9;
	s6 =	sadd.s32 @!p0 $0x88, s6;
	s7 =	simm.s32 @p2 $0x1082  }
0x22: {  	[simem:s7], [sflag:s8] =	dma.local @!p0 [hbm:s6], $0xF7A  }
0x23: {  	s9 =	sor.u32 $0xD0000000, s2;
	s6 =	simm.s32 $0x108;
	_ =	swait.ge @!p0 [sflag:s8], $0x0  }
0x24: {  	s3 =	sadd.s32 $0x88, s3;
	s6 =	simm.s32 @!p1 $0x1082;
	[sflag:s4] =	ssyncset.s32 $0xFFFFF086  }
0x25: {  	[simem:s6], [sflag:s4] =	dma.local [hbm:s3], $0xF7A  }
0x26: {  	[smem:$0x3F95] =	sst s1;
	(tag) =	ssettag s2;
	_ =	strace s9  }
0x27: {  	s1 =	sld [smem:$0x3FA5]  }
0x28: {  	s2 =	sld [smem:$0x3FA6]  }
0x29: {  	s4 =	sld [smem:$0x3FA8]  }
0x2a: {  	p0 =	seq.s32 s5, $0x0;
	s5 =	sld [smem:$0x3FA9]  }
0x2b: {  	s6 =	sld [smem:$0x3FAA]  }
0x2c: {  	s7 =	sld [smem:$0x3FAB]  }
0x2d: {  	s3 =	simm.s32 $0x108;
	s8 =	sld [smem:$0x3FAC]  }
0x2e: {  	s3 =	simm.s32 @!p0 $0x1082;
	s9 =	sld [smem:$0x3FAD]  }
0x2f: {  	lr =	sadd.s32 s0, s3;
	s0 =	sld [smem:$0x3FA4]  }
0x30: {  	s3 =	sld [smem:$0x3FA7]  }
0x31: {  	[smem:$0x3FB0] =	sst s10  }
0x32: {  	s10 =	sld [smem:$0x3FAE];
	_ =	sdelay $0x3  }
0x33: {  	p0 =	seq.s32 s10, $0x1;
	s10 =	sld [smem:$0x3FB0];
	_ =	sdelay $0x3  }
0x34: {  	[smem:$0x3FB0] =	sst s10  }
0x35: {  	s10 =	sld [smem:$0x3FAF];
	_ =	sdelay $0x3  }
0x36: {  	p1 =	seq.s32 s10, $0x1;
	s10 =	sld [smem:$0x3FB0];
	_ =	sdelay $0x3  }
0x37: {  	[smem:$0x3FB0] =	sst s10  }
0x38: {  	s10 =	sld [smem:$0x3FB1]  }
0x39: {  	_ = 	snop;
	(pc) =	sbr.ind lr, $3  }
0x3a: {  	_ = 	snop  }
0x3b: {  	_ = 	snop  }
0x3c: {  	p2 =	seq.s32 s10, $0x1;
	s10 =	sld [smem:$0x3FB0]  }
0x3d: {  	_ =	shalt  }
0x3e: {  	_ =	shalt  }
0x3f: {  	_ =	shalt  }
0x40: {  	_ =	shalt  }
0x41: {  	_ =	shalt  }
0x42: {  	_ =	shalt  }
0x43: {  	_ =	shalt  }
0x44: {  	_ =	shalt  }
0x45: {  	_ =	shalt  }
0x46: {  	_ =	shalt  }
0x47: {  	_ =	shalt  }
0x48: {  	_ =	shalt  }
0x49: {  	_ =	shalt  }
0x4a: {  	_ =	shalt  }
0x4b: {  	_ =	shalt  }
0x4c: {  	_ =	shalt  }
0x4d: {  	_ =	shalt  }
0x4e: {  	_ =	shalt  }
0x4f: {  	_ =	shalt  }
0x50: {  	_ =	shalt  }
0x51: {  	_ =	shalt  }
0x52: {  	_ =	shalt  }
0x53: {  	_ =	shalt  }
0x54: {  	_ =	shalt  }
0x55: {  	_ =	shalt  }
0x56: {  	_ =	shalt  }
0x57: {  	_ =	shalt  }
0x58: {  	_ =	shalt  }
0x59: {  	_ =	shalt  }
0x5a: {  	_ =	shalt  }
0x5b: {  	_ =	shalt  }
0x5c: {  	_ =	shalt  }
0x5d: {  	_ =	shalt  }
0x5e: {  	_ =	shalt  }
0x5f: {  	_ =	shalt  }
0x60: {  	_ =	shalt  }
0x61: {  	_ =	shalt  }
0x62: {  	_ =	shalt  }
0x63: {  	_ =	shalt  }
0x64: {  	_ =	shalt  }
0x65: {  	_ =	shalt  }
0x66: {  	_ =	shalt  }
0x67: {  	_ =	shalt  }
0x68: {  	_ =	shalt  }
0x69: {  	_ =	shalt  }
0x6a: {  	_ =	shalt  }
0x6b: {  	_ =	shalt  }
0x6c: {  	_ =	shalt  }
0x6d: {  	_ =	shalt  }
0x6e: {  	_ =	shalt  }
0x6f: {  	_ =	shalt  }
0x70: {  	_ =	shalt  }
0x71: {  	_ =	shalt  }
0x72: {  	_ =	shalt  }
0x73: {  	_ =	shalt  }
0x74: {  	_ =	shalt  }
0x75: {  	_ =	shalt  }
0x76: {  	_ =	shalt  }
0x77: {  	_ =	shalt  }
0x78: {  	_ =	shalt  }
0x79: {  	_ =	shalt  }
0x7a: {  	_ =	shalt  }
0x7b: {  	_ =	shalt  }
0x7c: {  	_ =	shalt  }
0x7d: {  	_ =	shalt  }
0x7e: {  	_ =	shalt  }
0x7f: {  	_ =	shalt  }
0x80: {  	_ =	shalt  }
0x81: {  	_ =	shalt  }
0x82: {  	_ =	shalt  }
0x83: {  	_ =	shalt  }
0x84: {  	_ =	shalt  }
0x85: {  	_ =	shalt  }
0x86: {  	_ =	shalt  }
0x87: {  	_ =	shalt  }
.Lfunc_end0:
.L_simem_size_0:
called_computation_lowered:
.L_overlay_start_0:
0x88: {  	s2 =	sld [smem:$0x3FD9]  }
0x89: {  	s3 =	sld [smem:$0x3FFE];
	_ =	sdelay $0x1  }
0x8a: {  	s1 =	srdreg.scid  }
0x8b: {  	s0 =	sand.u32 $0x1, s1  }
0x8c: {  	s17 =	sshll.u32 s0, $0xA;
	s2 =	sadd.s32 s3, s2  }
0x8d: {  	s2 =	sadd.s32 s2, s17  }
0x8e: {  	[smem:$0x3FBC] =	sst s2  }
0x8f: {  	_ = 	snop  }
0x90: {  	s2 =	sld [smem:$0x3FC9]  }
0x91: {  	s18 =	sld [smem:$0x3FC8];
	(tm) =	ssettm $0x1  }
0x92: {  	s4 =	sld [smem:$0x3FFB];
	_ =	sdelay $0x3  }
0x93: {  	_ =	strace s4  }
0x94: {  	s4 =	sld [smem:$0x3FFC];
	_ =	sdelay $0x3  }
0x95: {  	_ =	strace s4  }
0x96: {  	s4 =	sld [smem:$0x3FFD];
	_ =	sdelay $0x3  }
0x97: {  	_ =	strace s4  }
0x98: {  	_ =	strace $0x8FFFFFFF  }
0x99: {  	s19 =	sld [smem:$0x3FDB];
	_ =	sdelay $0x1  }
0x9a: {  	s5 =	simm.s32 $_scs_section_size  }
0x9b: {  	s6 =	simm.s32 $_size__tile_overlayer_lowered;
	s7 =	simm.s32 $_tile_overlayer_lowered  }
0x9c: {  	s22 =	simm.s32 $0x1BFF;
	s21 =	sshll.u32 s7, $0x1;
	s4 =	sadd.s32 s5, s19  }
0x9d: {  	s8 =	simm.s32 $0x0;
	s20 =	sshll.u32 s6, $0x1;
	s6 =	sadd.s32 s21, s4  }
0x9e: {  	[timem:s8], [sflag:s22] =	dma.local [hbm:s6], s20  }
0x9f: {  	_ =	swait.ge [sflag:s22], s20  }
0xa0: {  	s5 =	ssub.s32 $0x0, s20;
	[sflag:s22] =	ssyncset.done $0x0  }
0xa1: {  	[sflag:s22] =	ssyncadd.s32 s5;
	_ =	sdelay $0x1  }
0xa2: {  	s23 =	simm.s32 $0x1B8B  }
0xa3: {  	_ =	swait.ge [sflag:s23], $0x1  }
0xa4: {  	[sflag:s23] =	ssyncset.done $0x0  }
0xa5: {  	s25 =	simm.s32 $0x1B8E;
	s24 =	sld [smem:$0x3FFE];
	[sflag:s23] =	ssyncadd.s32 $0xFFFFFFFF  }
0xa6: {  	s26 =	simm.s32 $execute0_lowered;
	[smem:$0x3FD2] =	sst s25  }
0xa7: {  	s6 =	sshll.u32 s26, $0x1;
	_ =	strace $0x80000046;
	[dreg:$0x1] =	wrdreg $0xFFFFFFFF  }
0xa8: {  	s28 =	simm.s32 $_size_execute0_lowered;
	s4 =	sadd.s32 s4, s6;
	[dreg:$0x0] =	wrdreg $0x0  }
0xa9: {  	s6 =	sshll.u32 s28, $0x1;
	[dreg:$0x2] =	wrdreg s4  }
0xaa: {  	[dreg:$0x3] =	wrdreg s6  }
0xab: {  	[dreg:$0x4] =	wrdreg $0xC0  }
0xac: {  	_ =	task [dreg:s8], $0x5FFFF  }
0xad: {  	[dreg:$0x1] =	wrdreg $0xFFFFFFFF  }
0xae: {  	[dreg:$0x0] =	wrdreg $0x60  }
0xaf: {  	[dreg:$0x2] =	wrdreg s2  }
0xb0: {  	[dreg:$0x3] =	wrdreg s18  }
0xb1: {  	[dreg:$0x4] =	wrdreg s24  }
0xb2: {  	[dreg:$0x5] =	wrdreg $0x9  }
0xb3: {  	_ =	task.clear_ibuf [dreg:s8], $0x6FFFF;
	_ =	strace $0x90000046  }
0xb4: {  	s29 =	simm.s32 $0x9;
	_ =	strace $0x80000048  }
0xb5: {  	_ =	swait.ge [sflag:s29], $0x1  }
0xb6: {  	[sflag:s29] =	ssyncadd.s32 $0xFFFFFFFF  }
0xb7: {  	_ =	strace $0x90000048  }
0xb8: {  	_ =	sfence  }
0xb9: {  	s30 =	sld [smem:$0x0];
	_ =	sdelay $0x2  }
0xba: {  	s31 =	sshll.u32 s1, $0xD;
	s1 =	sshrl.u32 s1, $0x2  }
0xbb: {  	s3 =	sand.u32 $0x4000, s31;
	s1 =	sadd.s32 s1, s30  }
0xbc: {  	s0 =	sor.u32 s3, s0;
	s1 =	sshll.u32 s1, $0x11  }
0xbd: {  	s0 =	sor.u32 s1, s0  }
0xbe: {  	s0 =	sadd.s32 $0x8F2B, s0  }
0xbf: {  	[sflag:s0] =	ssyncadd.remote.s32 $0x1  }
0xc0: {  	_ =	sfence.sel $0xFFFF  }
0xc1: {  	[dreg:$0x0] =	wrdreg $0xFFFFFFFF;
	(pc) =	sbr.abs _section_cstart, $3  }
0xc2: {  	[dreg:$0x1] =	wrdreg $0xFFFFFFFF  }
0xc3: {  	_ =	task.clear_ibuf [dreg:s8], $0x2FFFF;
	_ =	strace $0x9FFFFFFF  }
0xc4: {  	(tm) =	ssettm $0x7FFFFFFF  }
0xc5: {  	_ =	shalt  }
tec
execute0_lowered:
.L_overlay_start_1:
0x0: {  	(tag) =	ssettag $0x1  }
0x1: {  	s0 =	rddreg [dreg:$0x0]  }
0x2: {  	s4 =	rddreg [dreg:$0x1]  }
0x3: {  	s10 =	rddreg [dreg:$0x2];
	s1 =	simm.s32 $0x0  }
0x4: {  	s8 =	srdreg.scid;
	s9 =	stileid.u32;
	s16 =	simm.s32 $0x1  }
0x5: {  	s17 =	simm.s32 $0x2;
	s18 =	simm.s32 $0x3;
	s19 =	simm.s32 $0x4  }
0x6: {  	s21 =	simm.s32 $0x4500;
	s22 =	simm.s32 $0x8500;
	s23 =	simm.s32 $0xC500  }
0x7: {  	[smem:$0x7FF] =	sst s1;
	s2 =	sadd.s32 $0x1400, s10;
	s3 =	sadd.s32 $0xF43800, s10  }
0x8: {  	s5 =	sadd.s32 $0x1E85C00, s10;
	s6 =	sadd.s32 $0x2DC8000, s10;
	s11 =	sand.u32 $0x1, s8  }
0x9: {  	s7 =	sadd.s32 $0x3D0A400, s10;
	s12 =	sshll.u32 s9, $0xA;
	s13 =	sshll.u32 s11, $0x9  }
0xa: {  	s8 =	sadd.s32 $0x3D4A400, s10;
	s9 =	sadd.s32 $0x3D8A400, s10;
	s13 =	sor.u32 s13, s12  }
0xb: {  	s10 =	sadd.s32 $0x3DCA400, s10;
	s11 =	ssub.s32 $0x2, s11;
	s14 =	sshrl.u32 s13, $0x3  }
0xc: {  	_ =	strace $0x80000047;
	s29 =	sshrl.u32 s11, $0x1;
	s0 =	sadd.s32 s0, s14  }
0xd: {  	s15 =	ssub.s32 s11, s29;
	s30 =	sadd.s32 s4, s14;
	[dreg:$0x4] =	wrdreg s0  }
0xe: {  	s13 =	sshll.u32 s13, $0x4;
	s31 =	smax.u32 s15, $0x1;
	[dreg:$0x5] =	wrdreg s30  }
0xf: {  	s15 =	simm.s32 $0x5;
	s4 =	simm.s32 $0x0;
	[dreg:$0x6] =	wrdreg s31  }
.LBB2_1:
0x10: {  	[dreg:$0x7] =	wrdreg s4  }
0x11: {  	s0 =	rddreg [dreg:$0x4]  }
0x12: {  	[tilespmem:s1], [sflag:$0x5] =	stream.linear.gather [hbm4b:s0+s1], $0x200, $0x38;
	[tilespmem:$0x10500] =	vst v63  }
0x13: {  	_ =	swait.ge [sflag:s15], $0x200  }
0x14: {  	[sflag:s15] =	ssyncset.done $0x0  }
0x15: {  	s25 =	simm.s32 $0x280;
	s31 =	rddreg [dreg:$0x5];
	[sflag:s15] =	ssyncadd.s32 $0xFFFFFE00  }
0x16: {  	[tilespmem:s25], [sflag:$0x5] =	stream.linear.gather [hbm4b:s31+s1], $0x200, $0x38;
	[tilespmem:$0x10500] =	vst v63  }
0x17: {  	_ =	swait.ge [sflag:s15], $0x200  }
0x18: {  	[sflag:s15] =	ssyncset.done $0x0  }
0x19: {  	s26 =	simm.s32 $0x0;
	s28 =	simm.s32 $0x0;
	[sflag:s15] =	ssyncadd.s32 $0xFFFFFE00  }
.LBB2_2:
0x1a: {  	v0 =	vld [tilespmem:s26+$0x0];
	_ =	sdelay $0x4  }
0x1b: {  	v0 =	vshll.u32 v0, $0x4  }
0x1c: {  	(v2sf) =	vpush v0, $0x0;
	_ =	sdelay $0x1  }
0x1d: {  	(v2sf) =	vpush v0, $0x1;
	_ =	sdelay $0x3  }
0x1e: {  	(v2sf) =	vpush v0, $0x2;
	_ =	sdelay $0x3  }
0x1f: {  	(v2sf) =	vpush v0, $0x3;
	_ =	sdelay $0x3  }
0x20: {  	(v2sf) =	vpush v0, $0x4  }
0x21: {  	s0 =	spop (v2sf)  }
0x22: {  	s29 =	simm.s32 $0x0;
	s0 =	sand.u32 $0x1FFFFFF0, s0  }
0x23: {  	s31 =	simm.s32 $0x500;
	s4 =	spop (v2sf);
	s30 =	sadd.s32 s2, s0  }
0x24: {  	(v2sf) =	vpush v0, $0x5;
	[tilespmem:s31], [sflag:$0x1] =	stream.linear.gather [hbm4b:s30+s29], $0x80, $0x38;
	[tilespmem:$0x10500] =	vst v63  }
0x25: {  	s4 =	sand.u32 $0x1FFFFFF0, s4;
	s0 =	sadd.s32 s5, s0;
	s30 =	simm.s32 $0x8500  }
0x26: {  	[tilespmem:s30], [sflag:$0x3] =	stream.linear.gather [hbm4b:s0+s29], $0x80, $0x38;
	[tilespmem:$0x10500] =	vst v63  }
0x27: {  	s20 =	spop (v2sf);
	s31 =	sadd.s32 s2, s4;
	s30 =	simm.s32 $0x580  }
0x28: {  	(v2sf) =	vpush v0, $0x6;
	[tilespmem:s30], [sflag:$0x1] =	stream.linear.gather [hbm4b:s31+s29], $0x80, $0x38;
	[tilespmem:$0x10500] =	vst v63  }
0x29: {  	s4 =	sadd.s32 s5, s4;
	s0 =	sand.u32 $0x1FFFFFF0, s20;
	s30 =	simm.s32 $0x8580  }
0x2a: {  	[tilespmem:s30], [sflag:$0x3] =	stream.linear.gather [hbm4b:s4+s29], $0x80, $0x38;
	[tilespmem:$0x10500] =	vst v63  }
0x2b: {  	s24 =	spop (v2sf);
	s31 =	sadd.s32 s2, s0;
	s30 =	simm.s32 $0x600  }
0x2c: {  	(v2sf) =	vpush v0, $0x7;
	[tilespmem:s30], [sflag:$0x1] =	stream.linear.gather [hbm4b:s31+s29], $0x80, $0x38;
	[tilespmem:$0x10500] =	vst v63  }
0x2d: {  	s0 =	sadd.s32 s5, s0;
	s4 =	sand.u32 $0x1FFFFFF0, s24;
	s30 =	simm.s32 $0x8600  }
0x2e: {  	[tilespmem:s30], [sflag:$0x3] =	stream.linear.gather [hbm4b:s0+s29], $0x80, $0x38;
	[tilespmem:$0x10500] =	vst v63  }
0x2f: {  	s11 =	spop (v2sf);
	s31 =	sadd.s32 s2, s4;
	s30 =	simm.s32 $0x680  }
0x30: {  	[tilespmem:s30], [sflag:$0x1] =	stream.linear.gather [hbm4b:s31+s29], $0x80, $0x38;
	[tilespmem:$0x10500] =	vst v63  }
0x31: {  	s4 =	sadd.s32 s5, s4;
	s0 =	sand.u32 $0x1FFFFFF0, s11;
	s30 =	simm.s32 $0x8680  }
0x32: {  	[tilespmem:s30], [sflag:$0x3] =	stream.linear.gather [hbm4b:s4+s29], $0x80, $0x38;
	[tilespmem:$0x10500] =	vst v63  }
0x33: {  	s12 =	spop (v2sf);
	s31 =	sadd.s32 s2, s0;
	s30 =	simm.s32 $0x700  }
0x34: {  	[tilespmem:s30], [sflag:$0x1] =	stream.linear.gather [hbm4b:s31+s29], $0x80, $0x38;
	[tilespmem:$0x10500] =	vst v63  }
0x35: {  	s0 =	sadd.s32 s5, s0;
	s4 =	sand.u32 $0x1FFFFFF0, s12;
	s30 =	simm.s32 $0x8700  }
0x36: {  	[tilespmem:s30], [sflag:$0x3] =	stream.linear.gather [hbm4b:s0+s29], $0x80, $0x38;
	[tilespmem:$0x10500] =	vst v63  }
0x37: {  	s14 =	spop (v2sf);
	s31 =	sadd.s32 s2, s4;
	s30 =	simm.s32 $0x780  }
0x38: {  	[tilespmem:s30], [sflag:$0x1] =	stream.linear.gather [hbm4b:s31+s29], $0x80, $0x38;
	[tilespmem:$0x10500] =	vst v63  }
0x39: {  	s4 =	sadd.s32 s5, s4;
	s0 =	sand.u32 $0x1FFFFFF0, s14;
	s30 =	simm.s32 $0x8780  }
0x3a: {  	[tilespmem:s30], [sflag:$0x3] =	stream.linear.gather [hbm4b:s4+s29], $0x80, $0x38;
	[tilespmem:$0x10500] =	vst v63  }
0x3b: {  	s20 =	spop (v2sf);
	s31 =	sadd.s32 s2, s0;
	s30 =	simm.s32 $0x800  }
0x3c: {  	[tilespmem:s30], [sflag:$0x1] =	stream.linear.gather [hbm4b:s31+s29], $0x80, $0x38;
	[tilespmem:$0x10500] =	vst v63  }
0x3d: {  	s0 =	sadd.s32 s5, s0;
	s4 =	sand.u32 $0x1FFFFFF0, s20;
	s30 =	simm.s32 $0x8800  }
0x3e: {  	[tilespmem:s30], [sflag:$0x3] =	stream.linear.gather [hbm4b:s0+s29], $0x80, $0x38;
	[tilespmem:$0x10500] =	vst v63  }
0x3f: {  	s24 =	simm.s32 $0x880;
	s31 =	smov.u32 s26;
	s30 =	sadd.s32 s2, s4  }
0x40: {  	[tilespmem:s24], [sflag:$0x1] =	stream.linear.gather [hbm4b:s30+s29], $0x80, $0x38;
	[tilespmem:$0x10500] =	vst v63  }
0x41: {  	s0 =	simm.s32 $0x8880;
	s4 =	sadd.s32 s5, s4;
	s30 =	simm.s32 $0x1000  }
.LBB2_3:
0x42: {  	p0 =	sne.s32 s30, $0xF000  }
0x43: {  	s31 =	sadd.s32 $0x8, s31;
	s11 =	smov.u32 s30;
	s30 =	sadd.s32 $0x1000, s30  }
0x44: {  	[tilespmem:s0], [sflag:$0x3] =	stream.linear.gather [hbm4b:s4+s29], $0x80, $0x38;
	[tilespmem:$0x10500] =	vst v63  }
0x45: {  	v0 =	vld [tilespmem:s31+$0x0];
	_ =	sdelay $0x4  }
0x46: {  	v0 =	vshll.u32 v0, $0x4  }
0x47: {  	(v2sf) =	vpush v0, $0x0  }
0x48: {  	(v2sf) =	vpush v0, $0x1  }
0x49: {  	(v2sf) =	vpush v0, $0x2;
	_ =	sdelay $0x2  }
0x4a: {  	(v2sf) =	vpush v0, $0x3;
	_ =	sdelay $0x3  }
0x4b: {  	(v2sf) =	vpush v0, $0x4;
	_ =	sdelay $0x3  }
0x4c: {  	(v2sf) =	vpush v0, $0x5;
	_ =	sdelay $0x1  }
0x4d: {  	s4 =	spop (v2sf)  }
0x4e: {  	s0 =	sshra.s32 s11, $0x2;
	s4 =	sand.u32 $0x1FFFFFF0, s4;
	s11 =	spop (v2sf)  }
0x4f: {  	s14 =	sadd.s32 $0x8500, s0;
	s12 =	sadd.s32 s2, s4;
	s24 =	spop (v2sf);
	(v2sf) =	vpush v0, $0x6  }
0x50: {  	s20 =	sadd.s32 $0x500, s0;
	s11 =	sand.u32 $0x1FFFFFF0, s11;
	s24 =	sand.u32 $0x1FFFFFF0, s24  }
0x51: {  	[tilespmem:s20], [sflag:$0x1] =	stream.linear.gather [hbm4b:s12+s29], $0x80, $0x38;
	[tilespmem:$0x10500] =	vst v63  }
0x52: {  	s4 =	sadd.s32 s5, s4;
	s12 =	sadd.s32 $0x580, s0;
	s20 =	spop (v2sf)  }
0x53: {  	[tilespmem:s14], [sflag:$0x3] =	stream.linear.gather [hbm4b:s4+s29], $0x80, $0x38;
	(v2sf) =	vpush v0, $0x7;
	[tilespmem:$0x10500] =	vst v63  }
0x54: {  	s4 =	sadd.s32 s2, s11;
	s14 =	sadd.s32 $0x8580, s0;
	s20 =	sand.u32 $0x1FFFFFF0, s20  }
0x55: {  	[tilespmem:s12], [sflag:$0x1] =	stream.linear.gather [hbm4b:s4+s29], $0x80, $0x38;
	[tilespmem:$0x10500] =	vst v63  }
0x56: {  	s4 =	sadd.s32 s5, s11;
	s11 =	sadd.s32 $0x600, s0;
	s12 =	spop (v2sf)  }
0x57: {  	[tilespmem:s14], [sflag:$0x3] =	stream.linear.gather [hbm4b:s4+s29], $0x80, $0x38;
	[tilespmem:$0x10500] =	vst v63  }
0x58: {  	s4 =	sadd.s32 s2, s24;
	s14 =	sadd.s32 $0x8600, s0;
	s12 =	sand.u32 $0x1FFFFFF0, s12  }
0x59: {  	[tilespmem:s11], [sflag:$0x1] =	stream.linear.gather [hbm4b:s4+s29], $0x80, $0x38;
	[tilespmem:$0x10500] =	vst v63  }
0x5a: {  	s4 =	sadd.s32 s5, s24;
	s11 =	sadd.s32 $0x680, s0;
	s24 =	spop (v2sf)  }
0x5b: {  	[tilespmem:s14], [sflag:$0x3] =	stream.linear.gather [hbm4b:s4+s29], $0x80, $0x38;
	[tilespmem:$0x10500] =	vst v63  }
0x5c: {  	s4 =	sadd.s32 s2, s20;
	s14 =	sadd.s32 $0x8680, s0;
	s24 =	sand.u32 $0x1FFFFFF0, s24  }
0x5d: {  	[tilespmem:s11], [sflag:$0x1] =	stream.linear.gather [hbm4b:s4+s29], $0x80, $0x38;
	[tilespmem:$0x10500] =	vst v63  }
0x5e: {  	s4 =	sadd.s32 s5, s20;
	s11 =	sadd.s32 $0x700, s0;
	s20 =	spop (v2sf)  }
0x5f: {  	[tilespmem:s14], [sflag:$0x3] =	stream.linear.gather [hbm4b:s4+s29], $0x80, $0x38;
	[tilespmem:$0x10500] =	vst v63  }
0x60: {  	s4 =	sadd.s32 s2, s12;
	s14 =	sadd.s32 $0x8700, s0;
	s20 =	sand.u32 $0x1FFFFFF0, s20  }
0x61: {  	[tilespmem:s11], [sflag:$0x1] =	stream.linear.gather [hbm4b:s4+s29], $0x80, $0x38;
	[tilespmem:$0x10500] =	vst v63  }
0x62: {  	s4 =	sadd.s32 s5, s12;
	s11 =	sadd.s32 $0x780, s0;
	s12 =	spop (v2sf)  }
0x63: {  	[tilespmem:s14], [sflag:$0x3] =	stream.linear.gather [hbm4b:s4+s29], $0x80, $0x38;
	[tilespmem:$0x10500] =	vst v63  }
0x64: {  	s4 =	sadd.s32 s2, s24;
	s14 =	sadd.s32 $0x8780, s0;
	s12 =	sand.u32 $0x1FFFFFF0, s12  }
0x65: {  	[tilespmem:s11], [sflag:$0x1] =	stream.linear.gather [hbm4b:s4+s29], $0x80, $0x38;
	[tilespmem:$0x10500] =	vst v63  }
0x66: {  	s4 =	sadd.s32 s5, s24;
	s11 =	sadd.s32 $0x800, s0;
	s24 =	sadd.s32 s2, s20  }
0x67: {  	[tilespmem:s14], [sflag:$0x3] =	stream.linear.gather [hbm4b:s4+s29], $0x80, $0x38;
	[tilespmem:$0x10500] =	vst v63  }
0x68: {  	s4 =	sadd.s32 $0x8800, s0;
	s14 =	sadd.s32 s5, s20  }
0x69: {  	[tilespmem:s11], [sflag:$0x1] =	stream.linear.gather [hbm4b:s24+s29], $0x80, $0x38;
	[tilespmem:$0x10500] =	vst v63  }
.Ltmp0:
0x6a: {  	_ = 	snop;
	(pc) =	sbr.rel @p0 .LBB2_3-.Ltmp0, $4  }
0x6b: {  	s20 =	sadd.s32 s2, s12;
	s11 =	sadd.s32 $0x880, s0  }
0x6c: {  	[tilespmem:s4], [sflag:$0x3] =	stream.linear.gather [hbm4b:s14+s29], $0x80, $0x38;
	[tilespmem:$0x10500] =	vst v63  }
0x6d: {  	s0 =	sadd.s32 $0x8880, s0;
	s4 =	sadd.s32 s5, s12  }
0x6e: {  	[tilespmem:s11], [sflag:$0x1] =	stream.linear.gather [hbm4b:s20+s29], $0x80, $0x38;
	[tilespmem:$0x10500] =	vst v63  }
0x6f: {  	[tilespmem:s0], [sflag:$0x3] =	stream.linear.gather [hbm4b:s4+s29], $0x80, $0x38;
	[tilespmem:$0x10500] =	vst v63  }
0x70: {  	v0 =	vld [tilespmem:s25+$0x0];
	_ =	sdelay $0x4  }
0x71: {  	v0 =	vshll.u32 v0, $0x4  }
0x72: {  	(v2sf) =	vpush v0, $0x0;
	_ =	sdelay $0x1  }
0x73: {  	(v2sf) =	vpush v0, $0x1;
	_ =	sdelay $0x3  }
0x74: {  	(v2sf) =	vpush v0, $0x2;
	_ =	sdelay $0x3  }
0x75: {  	(v2sf) =	vpush v0, $0x3;
	_ =	sdelay $0x3  }
0x76: {  	(v2sf) =	vpush v0, $0x4  }
0x77: {  	s12 =	simm.s32 $0x4500;
	s14 =	spop (v2sf)  }
0x78: {  	s24 =	simm.s32 $0xC500;
	s29 =	simm.s32 $0x1000;
	s0 =	sand.u32 $0x1FFFFFF0, s14  }
0x79: {  	s30 =	smov.u32 s25;
	s20 =	spop (v2sf);
	s11 =	sadd.s32 s3, s0  }
0x7a: {  	(v2sf) =	vpush v0, $0x5;
	[tilespmem:s12], [sflag:$0x2] =	stream.linear.gather [hbm4b:s11+s1], $0x80, $0x38;
	[tilespmem:$0x10500] =	vst v63  }
0x7b: {  	s14 =	simm.s32 $0x4580;
	s4 =	sand.u32 $0x1FFFFFF0, s20;
	s0 =	sadd.s32 s6, s0  }
0x7c: {  	[tilespmem:s24], [sflag:$0x4] =	stream.linear.gather [hbm4b:s0+s1], $0x80, $0x38;
	[tilespmem:$0x10500] =	vst v63  }
0x7d: {  	s31 =	spop (v2sf);
	s20 =	sadd.s32 s3, s4;
	s4 =	sadd.s32 s6, s4  }
0x7e: {  	(v2sf) =	vpush v0, $0x6;
	[tilespmem:s14], [sflag:$0x2] =	stream.linear.gather [hbm4b:s20+s1], $0x80, $0x38;
	[tilespmem:$0x10500] =	vst v63  }
0x7f: {  	s12 =	simm.s32 $0x4800;
	s0 =	sand.u32 $0x1FFFFFF0, s31;
	s24 =	simm.s32 $0xC580  }
0x80: {  	[tilespmem:s24], [sflag:$0x4] =	stream.linear.gather [hbm4b:s4+s1], $0x80, $0x38;
	[tilespmem:$0x10500] =	vst v63  }
0x81: {  	s31 =	spop (v2sf);
	s14 =	simm.s32 $0x4600;
	s20 =	sadd.s32 s3, s0  }
0x82: {  	(v2sf) =	vpush v0, $0x7;
	[tilespmem:s14], [sflag:$0x2] =	stream.linear.gather [hbm4b:s20+s1], $0x80, $0x38;
	[tilespmem:$0x10500] =	vst v63  }
0x83: {  	s0 =	sadd.s32 s6, s0;
	s4 =	sand.u32 $0x1FFFFFF0, s31;
	s24 =	simm.s32 $0xC600  }
0x84: {  	[tilespmem:s24], [sflag:$0x4] =	stream.linear.gather [hbm4b:s0+s1], $0x80, $0x38;
	[tilespmem:$0x10500] =	vst v63  }
0x85: {  	s31 =	spop (v2sf);
	s14 =	simm.s32 $0x4680;
	s20 =	sadd.s32 s3, s4  }
0x86: {  	[tilespmem:s14], [sflag:$0x2] =	stream.linear.gather [hbm4b:s20+s1], $0x80, $0x38;
	[tilespmem:$0x10500] =	vst v63  }
0x87: {  	s4 =	sadd.s32 s6, s4;
	s0 =	sand.u32 $0x1FFFFFF0, s31;
	s24 =	simm.s32 $0xC680  }
0x88: {  	[tilespmem:s24], [sflag:$0x4] =	stream.linear.gather [hbm4b:s4+s1], $0x80, $0x38;
	[tilespmem:$0x10500] =	vst v63  }
0x89: {  	s31 =	spop (v2sf);
	s14 =	simm.s32 $0x4700;
	s20 =	sadd.s32 s3, s0  }
0x8a: {  	[tilespmem:s14], [sflag:$0x2] =	stream.linear.gather [hbm4b:s20+s1], $0x80, $0x38;
	[tilespmem:$0x10500] =	vst v63  }
0x8b: {  	s0 =	sadd.s32 s6, s0;
	s4 =	sand.u32 $0x1FFFFFF0, s31;
	s24 =	simm.s32 $0xC700  }
0x8c: {  	[tilespmem:s24], [sflag:$0x4] =	stream.linear.gather [hbm4b:s0+s1], $0x80, $0x38;
	[tilespmem:$0x10500] =	vst v63  }
0x8d: {  	s31 =	spop (v2sf);
	s14 =	simm.s32 $0x4780;
	s20 =	sadd.s32 s3, s4  }
0x8e: {  	[tilespmem:s14], [sflag:$0x2] =	stream.linear.gather [hbm4b:s20+s1], $0x80, $0x38;
	[tilespmem:$0x10500] =	vst v63  }
0x8f: {  	s4 =	sadd.s32 s6, s4;
	s0 =	sand.u32 $0x1FFFFFF0, s31;
	s24 =	simm.s32 $0xC780  }
0x90: {  	[tilespmem:s24], [sflag:$0x4] =	stream.linear.gather [hbm4b:s4+s1], $0x80, $0x38;
	[tilespmem:$0x10500] =	vst v63  }
0x91: {  	s31 =	spop (v2sf);
	s14 =	sadd.s32 s3, s0;
	s20 =	simm.s32 $0xC800  }
0x92: {  	[tilespmem:s12], [sflag:$0x2] =	stream.linear.gather [hbm4b:s14+s1], $0x80, $0x38;
	[tilespmem:$0x10500] =	vst v63  }
0x93: {  	s0 =	sadd.s32 s6, s0;
	s4 =	sand.u32 $0x1FFFFFF0, s31;
	s24 =	simm.s32 $0x4880  }
0x94: {  	[tilespmem:s20], [sflag:$0x4] =	stream.linear.gather [hbm4b:s0+s1], $0x80, $0x38;
	[tilespmem:$0x10500] =	vst v63  }
0x95: {  	s31 =	sadd.s32 s3, s4;
	s4 =	sadd.s32 s6, s4;
	s0 =	simm.s32 $0xC880  }
0x96: {  	[tilespmem:s24], [sflag:$0x2] =	stream.linear.gather [hbm4b:s31+s1], $0x80, $0x38;
	[tilespmem:$0x10500] =	vst v63  }
.LBB2_5:
0x97: {  	p0 =	sne.s32 s29, $0xF000  }
0x98: {  	s30 =	sadd.s32 $0x8, s30;
	s11 =	smov.u32 s29;
	s29 =	sadd.s32 $0x1000, s29  }
0x99: {  	[tilespmem:s0], [sflag:$0x4] =	stream.linear.gather [hbm4b:s4+s1], $0x80, $0x38;
	[tilespmem:$0x10500] =	vst v63  }
0x9a: {  	v0 =	vld [tilespmem:s30+$0x0];
	_ =	sdelay $0x4  }
0x9b: {  	v0 =	vshll.u32 v0, $0x4  }
0x9c: {  	(v2sf) =	vpush v0, $0x0  }
0x9d: {  	(v2sf) =	vpush v0, $0x1  }
0x9e: {  	(v2sf) =	vpush v0, $0x2;
	_ =	sdelay $0x2  }
0x9f: {  	(v2sf) =	vpush v0, $0x3;
	_ =	sdelay $0x3  }
0xa0: {  	(v2sf) =	vpush v0, $0x4;
	_ =	sdelay $0x3  }
0xa1: {  	(v2sf) =	vpush v0, $0x5;
	_ =	sdelay $0x1  }
0xa2: {  	s4 =	spop (v2sf)  }
0xa3: {  	s0 =	sshra.s32 s11, $0x2;
	s4 =	sand.u32 $0x1FFFFFF0, s4;
	s11 =	spop (v2sf)  }
0xa4: {  	s14 =	sadd.s32 $0xC500, s0;
	s12 =	sadd.s32 s3, s4;
	s20 =	spop (v2sf);
	(v2sf) =	vpush v0, $0x6  }
0xa5: {  	s24 =	sadd.s32 $0x4500, s0;
	s11 =	sand.u32 $0x1FFFFFF0, s11;
	s20 =	sand.u32 $0x1FFFFFF0, s20  }
0xa6: {  	[tilespmem:s24], [sflag:$0x2] =	stream.linear.gather [hbm4b:s12+s1], $0x80, $0x38;
	[tilespmem:$0x10500] =	vst v63  }
0xa7: {  	s4 =	sadd.s32 s6, s4;
	s12 =	sadd.s32 $0x4580, s0;
	s24 =	spop (v2sf)  }
0xa8: {  	[tilespmem:s14], [sflag:$0x4] =	stream.linear.gather [hbm4b:s4+s1], $0x80, $0x38;
	(v2sf) =	vpush v0, $0x7;
	[tilespmem:$0x10500] =	vst v63  }
0xa9: {  	s4 =	sadd.s32 s3, s11;
	s14 =	sadd.s32 $0xC580, s0;
	s24 =	sand.u32 $0x1FFFFFF0, s24  }
0xaa: {  	[tilespmem:s12], [sflag:$0x2] =	stream.linear.gather [hbm4b:s4+s1], $0x80, $0x38;
	[tilespmem:$0x10500] =	vst v63  }
0xab: {  	s4 =	sadd.s32 s6, s11;
	s11 =	sadd.s32 $0x4600, s0;
	s12 =	spop (v2sf)  }
0xac: {  	[tilespmem:s14], [sflag:$0x4] =	stream.linear.gather [hbm4b:s4+s1], $0x80, $0x38;
	[tilespmem:$0x10500] =	vst v63  }
0xad: {  	s4 =	sadd.s32 s3, s20;
	s14 =	sadd.s32 $0xC600, s0;
	s12 =	sand.u32 $0x1FFFFFF0, s12  }
0xae: {  	[tilespmem:s11], [sflag:$0x2] =	stream.linear.gather [hbm4b:s4+s1], $0x80, $0x38;
	[tilespmem:$0x10500] =	vst v63  }
0xaf: {  	s4 =	sadd.s32 s6, s20;
	s11 =	sadd.s32 $0x4680, s0;
	s20 =	spop (v2sf)  }
0xb0: {  	[tilespmem:s14], [sflag:$0x4] =	stream.linear.gather [hbm4b:s4+s1], $0x80, $0x38;
	[tilespmem:$0x10500] =	vst v63  }
0xb1: {  	s4 =	sadd.s32 s3, s24;
	s14 =	sadd.s32 $0xC680, s0;
	s20 =	sand.u32 $0x1FFFFFF0, s20  }
0xb2: {  	[tilespmem:s11], [sflag:$0x2] =	stream.linear.gather [hbm4b:s4+s1], $0x80, $0x38;
	[tilespmem:$0x10500] =	vst v63  }
0xb3: {  	s4 =	sadd.s32 s6, s24;
	s11 =	sadd.s32 $0x4700, s0;
	s24 =	spop (v2sf)  }
0xb4: {  	[tilespmem:s14], [sflag:$0x4] =	stream.linear.gather [hbm4b:s4+s1], $0x80, $0x38;
	[tilespmem:$0x10500] =	vst v63  }
0xb5: {  	s4 =	sadd.s32 s3, s12;
	s14 =	sadd.s32 $0xC700, s0;
	s24 =	sand.u32 $0x1FFFFFF0, s24  }
0xb6: {  	[tilespmem:s11], [sflag:$0x2] =	stream.linear.gather [hbm4b:s4+s1], $0x80, $0x38;
	[tilespmem:$0x10500] =	vst v63  }
0xb7: {  	s4 =	sadd.s32 s6, s12;
	s11 =	sadd.s32 $0x4780, s0;
	s12 =	spop (v2sf)  }
0xb8: {  	[tilespmem:s14], [sflag:$0x4] =	stream.linear.gather [hbm4b:s4+s1], $0x80, $0x38;
	[tilespmem:$0x10500] =	vst v63  }
0xb9: {  	s4 =	sadd.s32 s3, s20;
	s14 =	sadd.s32 $0xC780, s0;
	s12 =	sand.u32 $0x1FFFFFF0, s12  }
0xba: {  	[tilespmem:s11], [sflag:$0x2] =	stream.linear.gather [hbm4b:s4+s1], $0x80, $0x38;
	[tilespmem:$0x10500] =	vst v63  }
0xbb: {  	s4 =	sadd.s32 s6, s20;
	s11 =	sadd.s32 $0x4800, s0;
	s20 =	sadd.s32 s3, s24  }
0xbc: {  	[tilespmem:s14], [sflag:$0x4] =	stream.linear.gather [hbm4b:s4+s1], $0x80, $0x38;
	[tilespmem:$0x10500] =	vst v63  }
0xbd: {  	s4 =	sadd.s32 $0xC800, s0;
	s14 =	sadd.s32 s6, s24  }
0xbe: {  	[tilespmem:s11], [sflag:$0x2] =	stream.linear.gather [hbm4b:s20+s1], $0x80, $0x38;
	[tilespmem:$0x10500] =	vst v63  }
.Ltmp1:
0xbf: {  	_ = 	snop;
	(pc) =	sbr.rel @p0 .LBB2_5-.Ltmp1, $4  }
0xc0: {  	s11 =	sadd.s32 $0x4880, s0;
	s20 =	sadd.s32 s3, s12  }
0xc1: {  	[tilespmem:s4], [sflag:$0x4] =	stream.linear.gather [hbm4b:s14+s1], $0x80, $0x38;
	[tilespmem:$0x10500] =	vst v63  }
0xc2: {  	s0 =	sadd.s32 $0xC880, s0;
	s4 =	sadd.s32 s6, s12  }
0xc3: {  	[tilespmem:s11], [sflag:$0x2] =	stream.linear.gather [hbm4b:s20+s1], $0x80, $0x38;
	[tilespmem:$0x10500] =	vst v63  }
0xc4: {  	[tilespmem:s0], [sflag:$0x4] =	stream.linear.gather [hbm4b:s4+s1], $0x80, $0x38;
	[tilespmem:$0x10500] =	vst v63  }
0xc5: {  	_ =	swait.ge [sflag:s16], $0x4000  }
0xc6: {  	[sflag:s16] =	ssyncset.done $0x0  }
0xc7: {  	[sflag:s16] =	ssyncadd.s32 $0xFFFFC000  }
0xc8: {  	_ =	swait.ge [sflag:s17], $0x4000  }
0xc9: {  	[sflag:s17] =	ssyncset.done $0x0  }
0xca: {  	[sflag:s17] =	ssyncadd.s32 $0xFFFFC000  }
0xcb: {  	_ =	swait.ge [sflag:s18], $0x4000  }
0xcc: {  	[sflag:s18] =	ssyncset.done $0x0  }
0xcd: {  	[sflag:s18] =	ssyncadd.s32 $0xFFFFC000  }
0xce: {  	s24 =	sshll.u32 s28, $0xB;
	_ =	swait.ge [sflag:s19], $0x4000  }
0xcf: {  	s0 =	sadd.s32 s13, s24;
	[sflag:s19] =	ssyncset.done $0x0  }
0xd0: {  	s11 =	simm.s32 $0x500;
	s29 =	sadd.s32 s7, s0;
	[sflag:s19] =	ssyncadd.s32 $0xFFFFC000  }
0xd1: {  	[hbm4b:s29+s1] =	stream.linear.scatter [tilespmem:s11], [sflag:$0x5], $0x4000, $0x38;
	[tilespmem:$0x10500] =	vst v63  }
0xd2: {  	_ =	swait.ge [sflag:s15], $0x4000  }
0xd3: {  	[sflag:s15] =	ssyncset.done $0x0  }
0xd4: {  	s30 =	sadd.s32 s8, s0;
	[sflag:s15] =	ssyncadd.s32 $0xFFFFC000  }
0xd5: {  	[hbm4b:s30+s1] =	stream.linear.scatter [tilespmem:s21], [sflag:$0x5], $0x4000, $0x38;
	[tilespmem:$0x10500] =	vst v63  }
0xd6: {  	_ =	swait.ge [sflag:s15], $0x4000  }
0xd7: {  	[sflag:s15] =	ssyncset.done $0x0  }
0xd8: {  	s31 =	sadd.s32 s9, s0;
	[sflag:s15] =	ssyncadd.s32 $0xFFFFC000  }
0xd9: {  	[hbm4b:s31+s1] =	stream.linear.scatter [tilespmem:s22], [sflag:$0x5], $0x4000, $0x38;
	[tilespmem:$0x10500] =	vst v63  }
0xda: {  	s28 =	sadd.s32 $0x1, s28;
	_ =	swait.ge [sflag:s15], $0x4000  }
0xdb: {  	p0 =	sne.s32 s28, $0x4;
	[sflag:s15] =	ssyncset.done $0x0  }
.Ltmp2:
0xdc: {  	s0 =	sadd.s32 s10, s0;
	[sflag:s15] =	ssyncadd.s32 $0xFFFFC000;
	(pc) =	sbr.rel @p0 .LBB2_2-.Ltmp2, $4  }
0xdd: {  	[hbm4b:s0+s1] =	stream.linear.scatter [tilespmem:s23], [sflag:$0x5], $0x4000, $0x38;
	[tilespmem:$0x10500] =	vst v63  }
0xde: {  	_ =	swait.ge [sflag:s15], $0x4000  }
0xdf: {  	[sflag:s15] =	ssyncset.done $0x0  }
0xe0: {  	s26 =	sadd.s32 $0x80, s26;
	s25 =	sadd.s32 $0x80, s25;
	[sflag:s15] =	ssyncadd.s32 $0xFFFFC000  }
0xe1: {  	s4 =	rddreg [dreg:$0x7]  }
0xe2: {  	s0 =	rddreg [dreg:$0x6];
	s4 =	sadd.s32 $0x1, s4  }
0xe3: {  	p0 =	sne.s32 s4, s0  }
.Ltmp3:
0xe4: {  	_ = 	snop;
	(pc) =	sbr.rel @p0 .LBB2_1-.Ltmp3, $1  }
0xe5: {  	_ =	sdelay $0x3  }
0xe6: {  	_ =	sfence.sel $0x180000  }
0xe7: {  	[bflag:$0x0] =	sbarrier.arrive $0xFFFF  }
0xe8: {  	_ =	strace $0x90000047  }
0xe9: {  	s0 =	stileid.u32;
	[bflag:$0x2] =	sbarrier.arrive $0xFFFF  }
0xea: {  	p0 =	sne.s32 s0, $0x0;
	s0 =	rddreg [dreg:$0x3]  }
0xeb: {  	s0 =	sadd.s32 @!p0 $0x100000, s0  }
0xec: {  	[sflag:s0] =	ssyncadd.tile.s32 @!p0 $0x1;
	_ =	shalt  }
.Lfunc_end2:
_tile_overlayer_lowered:
.L_overlay_start_2:
0xed: {  	(tag) =	ssettag $0x2  }
0xee: {  	s0 =	rddreg [dreg:$0x0];
	s2 =	stileid.u32  }
0xef: {  	s1 =	rddreg [dreg:$0x1];
	p0 =	sne.s32 s2, $0x0  }
0xf0: {  	s3 =	rddreg [dreg:$0x2];
	[bflag:$0x3] =	sbarrier.arrive $0xFFFF;
	s2 =	simm.s32 @!p0 $0x1C05  }
0xf1: {  	[timem:s3], [sflag:s2] =	dma.local @!p0 [hbm:s0], s1  }
0xf2: {  	s0 =	simm.s32 @!p0 $0x5  }
0xf3: {  	_ =	swait.ge @!p0 [sflag:s0], s1  }
0xf4: {  	s1 =	ssub.s32 @!p0 $0x0, s1;
	[sflag:s0] =	ssyncset.done @!p0 $0x0  }
0xf5: {  	[sflag:s0] =	ssyncadd.s32 @!p0 s1  }
0xf6: {  	[bflag:$0x3] =	sbarrier.arrive $0xFFFF  }
0xf7: {  	_ =	shalt  }

</sc_bundles>
